<compile_context>
chip_gen: v7x
topology: tpu7x:2x2x1
jax: 0.10.2.dev20260603
libtpu: 0.0.44.dev20260713+nightly
codegen_flags: <defaults>
</compile_context>

<pallas_src>
import functools

import jax
import jax.numpy as jnp
import numpy as np
from jax.experimental import pallas as pl
from jax.experimental.pallas import tpu as pltpu

LEVEL_SIZES = [(100, 100), (50, 50), (25, 25), (13, 13), (7, 7)]
A = 3
IMG_H = 800.0
IMG_W = 800.0
PRE_NMS_TOP_N = 1000
POST_NMS_TOP_N = 1000
NMS_THRESH = 0.7
MIN_SIZE = 1e-3
BBOX_XFORM_CLIP = float(np.log(1000.0 / 16.0))
NUM_PER_LEVEL = [h * w * A for (h, w) in LEVEL_SIZES]
N_TOTAL = sum(NUM_PER_LEVEL)
K_PER_LEVEL = [min(PRE_NMS_TOP_N, n) for n in NUM_PER_LEVEL]
TILE = 1024
NEG_PAD = -1e30


def _nms_tile_kernel(in_ref, out_ref, iou_ref):
    s = in_ref[0, 0, :]
    d0 = in_ref[0, 1, :]
    d1 = in_ref[0, 2, :]
    d2 = in_ref[0, 3, :]
    d3 = in_ref[0, 4, :]
    a0 = in_ref[0, 5, :]
    a1 = in_ref[0, 6, :]
    a2 = in_ref[0, 7, :]
    a3 = in_ref[0, 8, :]

    w = a2 - a0
    h = a3 - a1
    cx = a0 + 0.5 * w
    cy = a1 + 0.5 * h
    dw = jnp.minimum(d2, BBOX_XFORM_CLIP)
    dh = jnp.minimum(d3, BBOX_XFORM_CLIP)
    pcx = d0 * w + cx
    pcy = d1 * h + cy
    pw = jnp.exp(dw) * w
    ph = jnp.exp(dh) * h
    x1 = jnp.clip(pcx - 0.5 * pw, 0.0, IMG_W)
    y1 = jnp.clip(pcy - 0.5 * ph, 0.0, IMG_H)
    x2 = jnp.clip(pcx + 0.5 * pw, 0.0, IMG_W)
    y2 = jnp.clip(pcy + 0.5 * ph, 0.0, IMG_H)

    out_ref[0, 1, :] = x1
    out_ref[0, 2, :] = y1
    out_ref[0, 3, :] = x2
    out_ref[0, 4, :] = y2
    out_ref[0, 5, :] = jnp.zeros((TILE,), jnp.float32)
    out_ref[0, 6, :] = jnp.zeros((TILE,), jnp.float32)
    out_ref[0, 7, :] = jnp.zeros((TILE,), jnp.float32)

    valid = (x2 - x1 >= MIN_SIZE) & (y2 - y1 >= MIN_SIZE) & (s > -1e20)

    area = (x2 - x1) * (y2 - y1)
    lx = jnp.maximum(x1[:, None], x1[None, :])
    ly = jnp.maximum(y1[:, None], y1[None, :])
    rx = jnp.minimum(x2[:, None], x2[None, :])
    ry = jnp.minimum(y2[:, None], y2[None, :])
    iw = jnp.maximum(rx - lx, 0.0)
    ih = jnp.maximum(ry - ly, 0.0)
    inter = iw * ih
    iou = inter / (area[:, None] + area[None, :] - inter + 1e-9)
    ii = jax.lax.broadcasted_iota(jnp.int32, (TILE, TILE), 0)
    jj = jax.lax.broadcasted_iota(jnp.int32, (TILE, TILE), 1)
    sup = (iou > NMS_THRESH) & (jj > ii)
    iou_ref[...] = jnp.where(sup, 1.0, 0.0).reshape(TILE // 8, 8, TILE)

    lane = jax.lax.broadcasted_iota(jnp.int32, (1, TILE), 1)

    def body(q, keep):
        slab = iou_ref[pl.ds(q, 1), :, :].reshape(8, TILE)
        base = q * 8
        for r in range(8):
            row = slab[r:r + 1, :]
            ki = jnp.sum(jnp.where(lane == base + r, keep, 0.0),
                         keepdims=True)
            keep = keep * (1.0 - row * ki)
        return keep

    keep_f = jax.lax.fori_loop(
        0, TILE // 8, body, jnp.where(valid, 1.0, 0.0).reshape(1, TILE))

    keep = keep_f[0, :] > 0.5
    out_ref[0, 0, :] = jnp.where(
        keep, s, jnp.where(s > -1e20, -1e10, NEG_PAD))


@jax.jit
def kernel(objectness, pred_bbox_deltas, anchors):
    B = objectness.shape[0]
    nl = len(NUM_PER_LEVEL)

    sc_parts, dl_parts, an_parts = [], [], []
    offset = 0
    for lvl, n in enumerate(NUM_PER_LEVEL):
        k = K_PER_LEVEL[lvl]
        vals, ti = jax.lax.top_k(objectness[:, offset:offset + n], k)
        dl = jnp.take_along_axis(
            pred_bbox_deltas[:, offset:offset + n, :], ti[:, :, None], axis=1)
        an = anchors[offset:offset + n][ti]
        pad = TILE - k
        sc_parts.append(jnp.pad(vals, ((0, 0), (0, pad)),
                                constant_values=NEG_PAD))
        dl_parts.append(jnp.pad(dl, ((0, 0), (0, pad), (0, 0))))
        an_parts.append(jnp.pad(an, ((0, 0), (0, pad), (0, 0))))
        offset += n

    scores_p = jnp.stack(sc_parts, axis=1).reshape(B * nl, 1, TILE)
    deltas_p = jnp.stack(dl_parts, axis=1).reshape(B * nl, TILE, 4)
    anchors_p = jnp.stack(an_parts, axis=1).reshape(B * nl, TILE, 4)
    deltas_p = jnp.transpose(deltas_p, (0, 2, 1))
    anchors_p = jnp.transpose(anchors_p, (0, 2, 1))
    packed = jnp.concatenate(
        [scores_p, deltas_p, anchors_p,
         jnp.zeros((B * nl, 7, TILE), jnp.float32)], axis=1)

    out = pl.pallas_call(
        _nms_tile_kernel,
        grid=(B * nl,),
        in_specs=[pl.BlockSpec((1, 16, TILE), lambda i: (i, 0, 0))],
        out_specs=pl.BlockSpec((1, 8, TILE), lambda i: (i, 0, 0)),
        out_shape=jax.ShapeDtypeStruct((B * nl, 8, TILE), jnp.float32),
        scratch_shapes=[
            pltpu.VMEM((TILE // 8, 8, TILE), jnp.float32),
        ],
        compiler_params=pltpu.CompilerParams(
            dimension_semantics=("parallel",)),
    )(packed)

    masked = out[:, 0, :].reshape(B, nl * TILE)
    boxes = jnp.transpose(out[:, 1:5, :].reshape(B, nl, 4, TILE), (0, 1, 3, 2))
    boxes = boxes.reshape(B, nl * TILE, 4)

    top_s, ti2 = jax.lax.top_k(masked, POST_NMS_TOP_N)
    out_b = jnp.take_along_axis(boxes, ti2[:, :, None], axis=1)
    return jnp.concatenate([out_b, top_s[:, :, None]], axis=2)

# --- scband reference (transcript-rebuilt; emitter-appended) ---
"""Pipeline reference for scband-region-proposal-network-17239998726242 (READ-ONLY COPY).

The authoritative reference and input builder live on the scoring server;
editing this copy changes nothing except your own understanding.
"""

import jax, jax.numpy as jnp
import numpy as np

# FPN-style RPN inference decomposition: 5 levels on an 800x800 image, 3 anchors/location.
LEVEL_SIZES = [(100, 100), (50, 50), (25, 25), (13, 13), (7, 7)]
STRIDES = [8, 16, 32, 64, 128]
SIZES = [32, 64, 128, 256, 512]
RATIOS = [0.5, 1.0, 2.0]
A = 3
B = 2
IMG_H = 800
IMG_W = 800
PRE_NMS_TOP_N = 1000   # testing value from _pre_nms_top_n
POST_NMS_TOP_N = 1000  # testing value from _post_nms_top_n
NMS_THRESH = 0.7
MIN_SIZE = 1e-3
BBOX_XFORM_CLIP = float(np.log(1000.0 / 16.0))
NUM_PER_LEVEL = [h * w * A for (h, w) in LEVEL_SIZES]
N_TOTAL = sum(NUM_PER_LEVEL)  # 40029


def _make_anchors():
    all_a = []
    for (h, w), stride, size in zip(LEVEL_SIZES, STRIDES, SIZES):
        base = []
        for r in RATIOS:
            hh = size * np.sqrt(r)
            ww = size / np.sqrt(r)
            base.append([-ww / 2.0, -hh / 2.0, ww / 2.0, hh / 2.0])
        base = np.array(base, dtype=np.float32)
        sx = np.arange(w, dtype=np.float32) * stride
        sy = np.arange(h, dtype=np.float32) * stride
        yy, xx = np.meshgrid(sy, sx, indexing='ij')
        shifts = np.stack([xx.ravel(), yy.ravel(), xx.ravel(), yy.ravel()], axis=1)
        a = (shifts[:, None, :] + base[None, :, :]).reshape(-1, 4)
        all_a.append(a.astype(np.float32))
    return jnp.asarray(np.concatenate(all_a, axis=0))


def setup_inputs(seed: int = 0) -> dict:
    key = jax.random.key(seed)
    k1, k2 = jax.random.split(key)
    objectness = jax.random.normal(k1, (B, N_TOTAL), dtype=jnp.float32)
    pred_bbox_deltas = jax.random.normal(k2, (B, N_TOTAL, 4), dtype=jnp.float32) * 0.5
    anchors = _make_anchors()
    return {'objectness': objectness, 'pred_bbox_deltas': pred_bbox_deltas, 'anchors': anchors}


def _decode(deltas, anchors):
    # BoxCoder.decoder with weights (1,1,1,1)
    w = anchors[:, 2] - anchors[:, 0]
    h = anchors[:, 3] - anchors[:, 1]
    cx = anchors[:, 0] + 0.5 * w
    cy = anchors[:, 1] + 0.5 * h
    dx = deltas[..., 0]
    dy = deltas[..., 1]
    dw = jnp.minimum(deltas[..., 2], BBOX_XFORM_CLIP)
    dh = jnp.minimum(deltas[..., 3], BBOX_XFORM_CLIP)
    pcx = dx * w + cx
    pcy = dy * h + cy
    pw = jnp.exp(dw) * w
    ph = jnp.exp(dh) * h
    return jnp.stack([pcx - 0.5 * pw, pcy - 0.5 * ph, pcx + 0.5 * pw, pcy + 0.5 * ph], axis=-1)


def _box_iou(b):
    area = (b[:, 2] - b[:, 0]) * (b[:, 3] - b[:, 1])
    lt = jnp.maximum(b[:, None, :2], b[None, :, :2])
    rb = jnp.minimum(b[:, None, 2:], b[None, :, 2:])
    wh = jnp.maximum(rb - lt, 0.0)
    inter = wh[..., 0] * wh[..., 1]
    return inter / (area[:, None] + area[None, :] - inter + 1e-9)


def _nms_keep(boxes_sorted, thresh):
    K = boxes_sorted.shape[0]
    iou = _box_iou(jax.lax.stop_gradient(boxes_sorted))
    ar = jnp.arange(K)
    def body(i, keep):
        sup = (iou[i] > thresh) & (ar > i) & keep[i]
        return keep & (~sup)
    return jax.lax.fori_loop(0, K, body, jnp.ones((K,), dtype=bool))


def reference(objectness, pred_bbox_deltas, anchors):
    # decode proposals from deltas + anchors
    proposals = _decode(pred_bbox_deltas, anchors)  # [B, N, 4]
    levels = jnp.concatenate([jnp.full((n,), i, dtype=jnp.int32) for i, n in enumerate(NUM_PER_LEVEL)])
    # _get_top_n_idx: per-level pre-NMS top-k
    idx_list = []
    offset = 0
    for n in NUM_PER_LEVEL:
        k = min(PRE_NMS_TOP_N, n)
        _, ti = jax.lax.top_k(jax.lax.stop_gradient(objectness[:, offset:offset + n]), k)
        idx_list.append(ti + offset)
        offset += n
    top_idx = jnp.concatenate(idx_list, axis=1)  # [B, K], K = 3654
    bi = jnp.arange(B)[:, None]
    sc = objectness[bi, top_idx]
    bx = proposals[bi, top_idx]
    lv = levels[top_idx]
    outs = []
    for b in range(B):
        boxes = bx[b]
        # clip_boxes_to_images
        boxes = jnp.stack([
            jnp.clip(boxes[:, 0], 0.0, float(IMG_W)),
            jnp.clip(boxes[:, 1], 0.0, float(IMG_H)),
            jnp.clip(boxes[:, 2], 0.0, float(IMG_W)),
            jnp.clip(boxes[:, 3], 0.0, float(IMG_H))], axis=1)
        # remove_small_boxes (static-shape: mask scores instead of filtering)
        ws = boxes[:, 2] - boxes[:, 0]
        hs = boxes[:, 3] - boxes[:, 1]
        valid = (ws >= MIN_SIZE) & (hs >= MIN_SIZE)
        s = jnp.where(valid, sc[b], -1e10)
        # batched_nms: offset boxes by level id
        off = lv[b].astype(boxes.dtype) * (float(max(IMG_H, IMG_W)) + 1.0)
        boxes_off = boxes + off[:, None]
        order = jnp.argsort(-jax.lax.stop_gradient(s))
        boxes_s = boxes_off[order]
        s_s = s[order]
        boxes_o = boxes[order]
        keep = _nms_keep(boxes_s, NMS_THRESH)
        masked = jnp.where(keep, s_s, -1e10)
        top_s, ti = jax.lax.top_k(masked, POST_NMS_TOP_N)
        out_b = boxes_o[ti]
        outs.append(jnp.concatenate([out_b, top_s[:, None]], axis=1))
    # [B, POST_NMS_TOP_N, 5] -> (x1, y1, x2, y2, score)
    return jnp.stack(outs, axis=0)

if __name__ == "__main__":
    import jax
    _d = setup_inputs()
    print(jax.jit(kernel)(*tuple(_d.values())))

</pallas_src>

<mosaic_0001>
module attributes {stable_mosaic.version = 14 : i64} {
  func.func @_nms_tile_kernel(%arg0: i32, %arg1: memref<1x16x1024xf32, #tpu.memory_space<vmem>>, %arg2: memref<1x8x1024xf32, #tpu.memory_space<vmem>>, %arg3: memref<128x8x1024xf32, #tpu.memory_space<vmem>>) attributes {dimension_semantics = [#tpu.dimension_semantics<parallel>], iteration_bounds = array<i64: 10>, scalar_prefetch = 0 : i64, scratch_operands = 1 : i64, tpu.core_type = #tpu.core_type<tc>, window_params = [{transform_indices = @transform_0, window_bounds = array<i64: 1, 16, 1024>}, {transform_indices = @transform_1, window_bounds = array<i64: 1, 8, 1024>}]} {
    %get3A = arith.constant 0 : index
    %get3A_0 = arith.constant 0 : index
    %get3A_1 = arith.constant 0 : index
    %get3A_2 = vector.load %arg1[%get3A, %get3A_0, %get3A_1] : memref<1x16x1024xf32, #tpu.memory_space<vmem>>, vector<1x1x1024xf32>
    %get3A_3 = vector.shape_cast %get3A_2 : vector<1x1x1024xf32> to vector<1024xf32>
    %get3A_4 = arith.constant 0 : index
    %get3A_5 = arith.constant 1 : index
    %get3A_6 = arith.constant 0 : index
    %get3A_7 = vector.load %arg1[%get3A_4, %get3A_5, %get3A_6] : memref<1x16x1024xf32, #tpu.memory_space<vmem>>, vector<1x1x1024xf32>
    %get3A_8 = vector.shape_cast %get3A_7 : vector<1x1x1024xf32> to vector<1024xf32>
    %get3A_9 = arith.constant 0 : index
    %get3A_10 = arith.constant 2 : index
    %get3A_11 = arith.constant 0 : index
    %get3A_12 = vector.load %arg1[%get3A_9, %get3A_10, %get3A_11] : memref<1x16x1024xf32, #tpu.memory_space<vmem>>, vector<1x1x1024xf32>
    %get3A_13 = vector.shape_cast %get3A_12 : vector<1x1x1024xf32> to vector<1024xf32>
    %get3A_14 = arith.constant 0 : index
    %get3A_15 = arith.constant 3 : index
    %get3A_16 = arith.constant 0 : index
    %get3A_17 = vector.load %arg1[%get3A_14, %get3A_15, %get3A_16] : memref<1x16x1024xf32, #tpu.memory_space<vmem>>, vector<1x1x1024xf32>
    %get3A_18 = vector.shape_cast %get3A_17 : vector<1x1x1024xf32> to vector<1024xf32>
    %get3A_19 = arith.constant 0 : index
    %get3A_20 = arith.constant 4 : index
    %get3A_21 = arith.constant 0 : index
    %get3A_22 = vector.load %arg1[%get3A_19, %get3A_20, %get3A_21] : memref<1x16x1024xf32, #tpu.memory_space<vmem>>, vector<1x1x1024xf32>
    %get3A_23 = vector.shape_cast %get3A_22 : vector<1x1x1024xf32> to vector<1024xf32>
    %get3A_24 = arith.constant 0 : index
    %get3A_25 = arith.constant 5 : index
    %get3A_26 = arith.constant 0 : index
    %get3A_27 = vector.load %arg1[%get3A_24, %get3A_25, %get3A_26] : memref<1x16x1024xf32, #tpu.memory_space<vmem>>, vector<1x1x1024xf32>
    %get3A_28 = vector.shape_cast %get3A_27 : vector<1x1x1024xf32> to vector<1024xf32>
    %get3A_29 = arith.constant 0 : index
    %get3A_30 = arith.constant 6 : index
    %get3A_31 = arith.constant 0 : index
    %get3A_32 = vector.load %arg1[%get3A_29, %get3A_30, %get3A_31] : memref<1x16x1024xf32, #tpu.memory_space<vmem>>, vector<1x1x1024xf32>
    %get3A_33 = vector.shape_cast %get3A_32 : vector<1x1x1024xf32> to vector<1024xf32>
    %get3A_34 = arith.constant 0 : index
    %get3A_35 = arith.constant 7 : index
    %get3A_36 = arith.constant 0 : index
    %get3A_37 = vector.load %arg1[%get3A_34, %get3A_35, %get3A_36] : memref<1x16x1024xf32, #tpu.memory_space<vmem>>, vector<1x1x1024xf32>
    %get3A_38 = vector.shape_cast %get3A_37 : vector<1x1x1024xf32> to vector<1024xf32>
    %get3A_39 = arith.constant 0 : index
    %get3A_40 = arith.constant 8 : index
    %get3A_41 = arith.constant 0 : index
    %get3A_42 = vector.load %arg1[%get3A_39, %get3A_40, %get3A_41] : memref<1x16x1024xf32, #tpu.memory_space<vmem>>, vector<1x1x1024xf32>
    %get3A_43 = vector.shape_cast %get3A_42 : vector<1x1x1024xf32> to vector<1024xf32>
    %sub3A = arith.subf %get3A_38, %get3A_28 : vector<1024xf32>
    %sub3A_44 = arith.subf %get3A_43, %get3A_33 : vector<1024xf32>
    %mul3A = arith.constant 5.000000e-01 : f32
    %mul3A_45 = vector.broadcast %mul3A : f32 to vector<1024xf32>
    %mul3A_46 = arith.mulf %mul3A_45, %sub3A : vector<1024xf32>
    %add3A = arith.addf %get3A_28, %mul3A_46 : vector<1024xf32>
    %mul3A_47 = arith.constant 5.000000e-01 : f32
    %mul3A_48 = vector.broadcast %mul3A_47 : f32 to vector<1024xf32>
    %mul3A_49 = arith.mulf %mul3A_48, %sub3A_44 : vector<1024xf32>
    %add3A_50 = arith.addf %get3A_33, %mul3A_49 : vector<1024xf32>
    %min3A = arith.constant 4.13516665 : f32
    %min3A_51 = vector.broadcast %min3A : f32 to vector<1024xf32>
    %min3A_52 = arith.minimumf %get3A_18, %min3A_51 : vector<1024xf32>
    %min3A_53 = arith.constant 4.13516665 : f32
    %min3A_54 = vector.broadcast %min3A_53 : f32 to vector<1024xf32>
    %min3A_55 = arith.minimumf %get3A_23, %min3A_54 : vector<1024xf32>
    %mul3A_56 = arith.mulf %get3A_8, %sub3A : vector<1024xf32>
    %add3A_57 = arith.addf %mul3A_56, %add3A : vector<1024xf32>
    %mul3A_58 = arith.mulf %get3A_13, %sub3A_44 : vector<1024xf32>
    %add3A_59 = arith.addf %mul3A_58, %add3A_50 : vector<1024xf32>
    %exp3A = math.exp %min3A_52 : vector<1024xf32>
    %mul3A_60 = arith.mulf %exp3A, %sub3A : vector<1024xf32>
    %exp3A_61 = math.exp %min3A_55 : vector<1024xf32>
    %mul3A_62 = arith.mulf %exp3A_61, %sub3A_44 : vector<1024xf32>
    %mul3A_63 = arith.constant 5.000000e-01 : f32
    %mul3A_64 = vector.broadcast %mul3A_63 : f32 to vector<1024xf32>
    %mul3A_65 = arith.mulf %mul3A_64, %mul3A_60 : vector<1024xf32>
    %sub3A_66 = arith.subf %add3A_57, %mul3A_65 : vector<1024xf32>
    %jit3A = arith.constant 0.000000e+00 : f32
    %jit3A_67 = arith.constant 800 : i32
    %max3A = vector.broadcast %jit3A : f32 to vector<1024xf32>
    %max3A_68 = arith.maximumf %max3A, %sub3A_66 : vector<1024xf32>
    %convert_element_type3A = arith.sitofp %jit3A_67 : i32 to f32
    %min3A_69 = vector.broadcast %convert_element_type3A : f32 to vector<1024xf32>
    %min3A_70 = arith.minimumf %min3A_69, %max3A_68 : vector<1024xf32>
    %mul3A_71 = arith.constant 5.000000e-01 : f32
    %mul3A_72 = vector.broadcast %mul3A_71 : f32 to vector<1024xf32>
    %mul3A_73 = arith.mulf %mul3A_72, %mul3A_62 : vector<1024xf32>
    %sub3A_74 = arith.subf %add3A_59, %mul3A_73 : vector<1024xf32>
    %jit3A_75 = arith.constant 0.000000e+00 : f32
    %jit3A_76 = arith.constant 800 : i32
    %max3A_77 = vector.broadcast %jit3A_75 : f32 to vector<1024xf32>
    %max3A_78 = arith.maximumf %max3A_77, %sub3A_74 : vector<1024xf32>
    %convert_element_type3A_79 = arith.sitofp %jit3A_76 : i32 to f32
    %min3A_80 = vector.broadcast %convert_element_type3A_79 : f32 to vector<1024xf32>
    %min3A_81 = arith.minimumf %min3A_80, %max3A_78 : vector<1024xf32>
    %mul3A_82 = arith.constant 5.000000e-01 : f32
    %mul3A_83 = vector.broadcast %mul3A_82 : f32 to vector<1024xf32>
    %mul3A_84 = arith.mulf %mul3A_83, %mul3A_60 : vector<1024xf32>
    %add3A_85 = arith.addf %add3A_57, %mul3A_84 : vector<1024xf32>
    %jit3A_86 = arith.constant 0.000000e+00 : f32
    %jit3A_87 = arith.constant 800 : i32
    %max3A_88 = vector.broadcast %jit3A_86 : f32 to vector<1024xf32>
    %max3A_89 = arith.maximumf %max3A_88, %add3A_85 : vector<1024xf32>
    %convert_element_type3A_90 = arith.sitofp %jit3A_87 : i32 to f32
    %min3A_91 = vector.broadcast %convert_element_type3A_90 : f32 to vector<1024xf32>
    %min3A_92 = arith.minimumf %min3A_91, %max3A_89 : vector<1024xf32>
    %mul3A_93 = arith.constant 5.000000e-01 : f32
    %mul3A_94 = vector.broadcast %mul3A_93 : f32 to vector<1024xf32>
    %mul3A_95 = arith.mulf %mul3A_94, %mul3A_62 : vector<1024xf32>
    %add3A_96 = arith.addf %add3A_59, %mul3A_95 : vector<1024xf32>
    %jit3A_97 = arith.constant 0.000000e+00 : f32
    %jit3A_98 = arith.constant 800 : i32
    %max3A_99 = vector.broadcast %jit3A_97 : f32 to vector<1024xf32>
    %max3A_100 = arith.maximumf %max3A_99, %add3A_96 : vector<1024xf32>
    %convert_element_type3A_101 = arith.sitofp %jit3A_98 : i32 to f32
    %min3A_102 = vector.broadcast %convert_element_type3A_101 : f32 to vector<1024xf32>
    %min3A_103 = arith.minimumf %min3A_102, %max3A_100 : vector<1024xf32>
    %swap3A = arith.constant 0 : index
    %swap3A_104 = arith.constant 1 : index
    %swap3A_105 = arith.constant 0 : index
    %swap3A_106 = vector.load %arg2[%swap3A, %swap3A_104, %swap3A_105] : memref<1x8x1024xf32, #tpu.memory_space<vmem>>, vector<1x1x1024xf32>
    %swap3A_107 = vector.shape_cast %swap3A_106 : vector<1x1x1024xf32> to vector<1024xf32>
    %swap3A_108 = vector.shape_cast %min3A_70 : vector<1024xf32> to vector<1x1x1024xf32>
    tpu.vector_store %arg2[%swap3A, %swap3A_104, %swap3A_105], %swap3A_108 {strides = array<i32>} : memref<1x8x1024xf32, #tpu.memory_space<vmem>>, vector<1x1x1024xf32>,
    %swap3A_109 = arith.constant 0 : index
    %swap3A_110 = arith.constant 2 : index
    %swap3A_111 = arith.constant 0 : index
    %swap3A_112 = vector.load %arg2[%swap3A_109, %swap3A_110, %swap3A_111] : memref<1x8x1024xf32, #tpu.memory_space<vmem>>, vector<1x1x1024xf32>
    %swap3A_113 = vector.shape_cast %swap3A_112 : vector<1x1x1024xf32> to vector<1024xf32>
    %swap3A_114 = vector.shape_cast %min3A_81 : vector<1024xf32> to vector<1x1x1024xf32>
    tpu.vector_store %arg2[%swap3A_109, %swap3A_110, %swap3A_111], %swap3A_114 {strides = array<i32>} : memref<1x8x1024xf32, #tpu.memory_space<vmem>>, vector<1x1x1024xf32>,
    %swap3A_115 = arith.constant 0 : index
    %swap3A_116 = arith.constant 3 : index
    %swap3A_117 = arith.constant 0 : index
    %swap3A_118 = vector.load %arg2[%swap3A_115, %swap3A_116, %swap3A_117] : memref<1x8x1024xf32, #tpu.memory_space<vmem>>, vector<1x1x1024xf32>
    %swap3A_119 = vector.shape_cast %swap3A_118 : vector<1x1x1024xf32> to vector<1024xf32>
    %swap3A_120 = vector.shape_cast %min3A_92 : vector<1024xf32> to vector<1x1x1024xf32>
    tpu.vector_store %arg2[%swap3A_115, %swap3A_116, %swap3A_117], %swap3A_120 {strides = array<i32>} : memref<1x8x1024xf32, #tpu.memory_space<vmem>>, vector<1x1x1024xf32>,
    %swap3A_121 = arith.constant 0 : index
    %swap3A_122 = arith.constant 4 : index
    %swap3A_123 = arith.constant 0 : index
    %swap3A_124 = vector.load %arg2[%swap3A_121, %swap3A_122, %swap3A_123] : memref<1x8x1024xf32, #tpu.memory_space<vmem>>, vector<1x1x1024xf32>
    %swap3A_125 = vector.shape_cast %swap3A_124 : vector<1x1x1024xf32> to vector<1024xf32>
    %swap3A_126 = vector.shape_cast %min3A_103 : vector<1024xf32> to vector<1x1x1024xf32>
    tpu.vector_store %arg2[%swap3A_121, %swap3A_122, %swap3A_123], %swap3A_126 {strides = array<i32>} : memref<1x8x1024xf32, #tpu.memory_space<vmem>>, vector<1x1x1024xf32>,
    %broadcast_in_dim3A = arith.constant 0.000000e+00 : f32
    %broadcast_in_dim3A_127 = vector.broadcast %broadcast_in_dim3A : f32 to vector<1024xf32>
    %swap3A_128 = arith.constant 0 : index
    %swap3A_129 = arith.constant 5 : index
    %swap3A_130 = arith.constant 0 : index
    %swap3A_131 = vector.load %arg2[%swap3A_128, %swap3A_129, %swap3A_130] : memref<1x8x1024xf32, #tpu.memory_space<vmem>>, vector<1x1x1024xf32>
    %swap3A_132 = vector.shape_cast %swap3A_131 : vector<1x1x1024xf32> to vector<1024xf32>
    %swap3A_133 = vector.shape_cast %broadcast_in_dim3A_127 : vector<1024xf32> to vector<1x1x1024xf32>
    tpu.vector_store %arg2[%swap3A_128, %swap3A_129, %swap3A_130], %swap3A_133 {strides = array<i32>} : memref<1x8x1024xf32, #tpu.memory_space<vmem>>, vector<1x1x1024xf32>,
    %broadcast_in_dim3A_134 = arith.constant 0.000000e+00 : f32
    %broadcast_in_dim3A_135 = vector.broadcast %broadcast_in_dim3A_134 : f32 to vector<1024xf32>
    %swap3A_136 = arith.constant 0 : index
    %swap3A_137 = arith.constant 6 : index
    %swap3A_138 = arith.constant 0 : index
    %swap3A_139 = vector.load %arg2[%swap3A_136, %swap3A_137, %swap3A_138] : memref<1x8x1024xf32, #tpu.memory_space<vmem>>, vector<1x1x1024xf32>
    %swap3A_140 = vector.shape_cast %swap3A_139 : vector<1x1x1024xf32> to vector<1024xf32>
    %swap3A_141 = vector.shape_cast %broadcast_in_dim3A_135 : vector<1024xf32> to vector<1x1x1024xf32>
    tpu.vector_store %arg2[%swap3A_136, %swap3A_137, %swap3A_138], %swap3A_141 {strides = array<i32>} : memref<1x8x1024xf32, #tpu.memory_space<vmem>>, vector<1x1x1024xf32>,
    %broadcast_in_dim3A_142 = arith.constant 0.000000e+00 : f32
    %broadcast_in_dim3A_143 = vector.broadcast %broadcast_in_dim3A_142 : f32 to vector<1024xf32>
    %swap3A_144 = arith.constant 0 : index
    %swap3A_145 = arith.constant 7 : index
    %swap3A_146 = arith.constant 0 : index
    %swap3A_147 = vector.load %arg2[%swap3A_144, %swap3A_145, %swap3A_146] : memref<1x8x1024xf32, #tpu.memory_space<vmem>>, vector<1x1x1024xf32>
    %swap3A_148 = vector.shape_cast %swap3A_147 : vector<1x1x1024xf32> to vector<1024xf32>
    %swap3A_149 = vector.shape_cast %broadcast_in_dim3A_143 : vector<1024xf32> to vector<1x1x1024xf32>
    tpu.vector_store %arg2[%swap3A_144, %swap3A_145, %swap3A_146], %swap3A_149 {strides = array<i32>} : memref<1x8x1024xf32, #tpu.memory_space<vmem>>, vector<1x1x1024xf32>,
    %sub3A_150 = arith.subf %min3A_92, %min3A_70 : vector<1024xf32>
    %ge3A = arith.constant 1.000000e-03 : f32
    %ge3A_151 = vector.broadcast %ge3A : f32 to vector<1024xf32>
    %ge3A_152 = arith.cmpf oge, %sub3A_150, %ge3A_151 : vector<1024xf32>
    %sub3A_153 = arith.subf %min3A_103, %min3A_81 : vector<1024xf32>
    %ge3A_154 = arith.constant 1.000000e-03 : f32
    %ge3A_155 = vector.broadcast %ge3A_154 : f32 to vector<1024xf32>
    %ge3A_156 = arith.cmpf oge, %sub3A_153, %ge3A_155 : vector<1024xf32>
    %and3A = arith.andi %ge3A_152, %ge3A_156 : vector<1024xi1>
    %gt3A = arith.constant -1.000000e+20 : f32
    %gt3A_157 = vector.broadcast %gt3A : f32 to vector<1024xf32>
    %gt3A_158 = arith.cmpf ogt, %get3A_3, %gt3A_157 : vector<1024xf32>
    %and3A_159 = arith.andi %and3A, %gt3A_158 : vector<1024xi1>
    %sub3A_160 = arith.subf %min3A_92, %min3A_70 : vector<1024xf32>
    %sub3A_161 = arith.subf %min3A_103, %min3A_81 : vector<1024xf32>
    %mul3A_162 = arith.mulf %sub3A_160, %sub3A_161 : vector<1024xf32>
    %broadcast_in_dim3A_163 = vector.shape_cast %min3A_70 : vector<1024xf32> to vector<1024x1xf32>
    %broadcast_in_dim3A_164 = vector.shape_cast %min3A_70 : vector<1024xf32> to vector<1x1024xf32>
    %max3A_165 = vector.broadcast %broadcast_in_dim3A_163 : vector<1024x1xf32> to vector<1024x1024xf32>
    %max3A_166 = vector.broadcast %broadcast_in_dim3A_164 : vector<1x1024xf32> to vector<1024x1024xf32>
    %max3A_167 = arith.maximumf %max3A_165, %max3A_166 : vector<1024x1024xf32>
    %broadcast_in_dim3A_168 = vector.shape_cast %min3A_81 : vector<1024xf32> to vector<1024x1xf32>
    %broadcast_in_dim3A_169 = vector.shape_cast %min3A_81 : vector<1024xf32> to vector<1x1024xf32>
    %max3A_170 = vector.broadcast %broadcast_in_dim3A_168 : vector<1024x1xf32> to vector<1024x1024xf32>
    %max3A_171 = vector.broadcast %broadcast_in_dim3A_169 : vector<1x1024xf32> to vector<1024x1024xf32>
    %max3A_172 = arith.maximumf %max3A_170, %max3A_171 : vector<1024x1024xf32>
    %broadcast_in_dim3A_173 = vector.shape_cast %min3A_92 : vector<1024xf32> to vector<1024x1xf32>
    %broadcast_in_dim3A_174 = vector.shape_cast %min3A_92 : vector<1024xf32> to vector<1x1024xf32>
    %min3A_175 = vector.broadcast %broadcast_in_dim3A_173 : vector<1024x1xf32> to vector<1024x1024xf32>
    %min3A_176 = vector.broadcast %broadcast_in_dim3A_174 : vector<1x1024xf32> to vector<1024x1024xf32>
    %min3A_177 = arith.minimumf %min3A_175, %min3A_176 : vector<1024x1024xf32>
    %broadcast_in_dim3A_178 = vector.shape_cast %min3A_103 : vector<1024xf32> to vector<1024x1xf32>
    %broadcast_in_dim3A_179 = vector.shape_cast %min3A_103 : vector<1024xf32> to vector<1x1024xf32>
    %min3A_180 = vector.broadcast %broadcast_in_dim3A_178 : vector<1024x1xf32> to vector<1024x1024xf32>
    %min3A_181 = vector.broadcast %broadcast_in_dim3A_179 : vector<1x1024xf32> to vector<1024x1024xf32>
    %min3A_182 = arith.minimumf %min3A_180, %min3A_181 : vector<1024x1024xf32>
    %sub3A_183 = arith.subf %min3A_177, %max3A_167 : vector<1024x1024xf32>
    %max3A_184 = arith.constant 0.000000e+00 : f32
    %max3A_185 = vector.broadcast %max3A_184 : f32 to vector<1024x1024xf32>
    %max3A_186 = arith.maximumf %sub3A_183, %max3A_185 : vector<1024x1024xf32>
    %sub3A_187 = arith.subf %min3A_182, %max3A_172 : vector<1024x1024xf32>
    %max3A_188 = arith.constant 0.000000e+00 : f32
    %max3A_189 = vector.broadcast %max3A_188 : f32 to vector<1024x1024xf32>
    %max3A_190 = arith.maximumf %sub3A_187, %max3A_189 : vector<1024x1024xf32>
    %mul3A_191 = arith.mulf %max3A_186, %max3A_190 : vector<1024x1024xf32>
    %broadcast_in_dim3A_192 = vector.shape_cast %mul3A_162 : vector<1024xf32> to vector<1024x1xf32>
    %broadcast_in_dim3A_193 = vector.shape_cast %mul3A_162 : vector<1024xf32> to vector<1x1024xf32>
    %add3A_194 = vector.broadcast %broadcast_in_dim3A_192 : vector<1024x1xf32> to vector<1024x1024xf32>
    %add3A_195 = vector.broadcast %broadcast_in_dim3A_193 : vector<1x1024xf32> to vector<1024x1024xf32>
    %add3A_196 = arith.addf %add3A_194, %add3A_195 : vector<1024x1024xf32>
    %sub3A_197 = arith.subf %add3A_196, %mul3A_191 : vector<1024x1024xf32>
    %add3A_198 = arith.constant 9.99999971E-10 : f32
    %add3A_199 = vector.broadcast %add3A_198 : f32 to vector<1024x1024xf32>
    %add3A_200 = arith.addf %sub3A_197, %add3A_199 : vector<1024x1024xf32>
    %div3A = arith.divf %mul3A_191, %add3A_200 : vector<1024x1024xf32>
    %iota3A = tpu.iota {dimensions = array<i32: 0>} : vector<1024x1024xi32>
    %iota3A_201 = tpu.iota {dimensions = array<i32: 1>} : vector<1024x1024xi32>
    %gt3A_202 = arith.constant 0.699999988 : f32
    %gt3A_203 = vector.broadcast %gt3A_202 : f32 to vector<1024x1024xf32>
    %gt3A_204 = arith.cmpf ogt, %div3A, %gt3A_203 : vector<1024x1024xf32>
    %gt3A_205 = arith.cmpi sgt, %iota3A_201, %iota3A : vector<1024x1024xi32>
    %and3A_206 = arith.andi %gt3A_204, %gt3A_205 : vector<1024x1024xi1>
    %jit3A_207 = arith.constant 1.000000e+00 : f32
    %jit3A_208 = arith.constant 0.000000e+00 : f32
    %broadcast_in_dim3A_209 = vector.broadcast %jit3A_207 : f32 to vector<1024x1024xf32>
    %broadcast_in_dim3A_210 = vector.broadcast %jit3A_208 : f32 to vector<1024x1024xf32>
    %select_n3A = arith.select %and3A_206, %broadcast_in_dim3A_209, %broadcast_in_dim3A_210 : vector<1024x1024xi1>, vector<1024x1024xf32>
    %reshape3A = vector.shape_cast %select_n3A : vector<1024x1024xf32> to vector<128x8x1024xf32>
    %swap3A_211 = arith.constant 0 : index
    %swap3A_212 = arith.constant 0 : index
    %swap3A_213 = arith.constant 0 : index
    %swap3A_214 = vector.load %arg3[%swap3A_211, %swap3A_212, %swap3A_213] : memref<128x8x1024xf32, #tpu.memory_space<vmem>>, vector<128x8x1024xf32>
    tpu.vector_store %arg3[%swap3A_211, %swap3A_212, %swap3A_213], %reshape3A {strides = array<i32>} : memref<128x8x1024xf32, #tpu.memory_space<vmem>>, vector<128x8x1024xf32>,
    %iota3A_215 = tpu.iota {dimensions = array<i32: 1>} : vector<1x1024xi32>
    %jit3A_216 = arith.constant 1.000000e+00 : f32
    %jit3A_217 = arith.constant 0.000000e+00 : f32
    %broadcast_in_dim3A_218 = vector.broadcast %jit3A_216 : f32 to vector<1024xf32>
    %broadcast_in_dim3A_219 = vector.broadcast %jit3A_217 : f32 to vector<1024xf32>
    %select_n3A_220 = arith.select %and3A_159, %broadcast_in_dim3A_218, %broadcast_in_dim3A_219 : vector<1024xi1>, vector<1024xf32>
    %reshape3A_221 = vector.shape_cast %select_n3A_220 : vector<1024xf32> to vector<1x1024xf32>
    %scan3A = arith.constant 0 : i32
    %scan3A_222 = arith.constant 128 : i32
    %scan3A_223 = arith.addi %scan3A, %scan3A_222 : i32
    %scan3A_224 = arith.constant 1 : i32
    %scan3A_225 = scf.for %scan3A_245 = %scan3A to %scan3A_223 step %scan3A_224 iter_args(%scan3A_246 = %reshape3A_221) -> (vector<1x1024xf32>)  : i32 {
      %get3A_247 = arith.index_cast %scan3A_245 : i32 to index
      %get3A_248 = arith.constant 0 : index
      %get3A_249 = arith.constant 0 : index
      %get3A_250 = vector.load %arg3[%get3A_247, %get3A_248, %get3A_249] : memref<128x8x1024xf32, #tpu.memory_space<vmem>>, vector<1x8x1024xf32>
      %reshape3A_251 = vector.shape_cast %get3A_250 : vector<1x8x1024xf32> to vector<8x1024xf32>
      %mul3A_252 = arith.constant 8 : i32
      %mul3A_253 = arith.muli %scan3A_245, %mul3A_252 : i32
      %slice3A = vector.extract_strided_slice %reshape3A_251 {offsets = [0, 0], sizes = [1, 1024], strides = [1, 1]} : vector<8x1024xf32> to vector<1x1024xf32>
      %add3A_254 = arith.constant 0 : i32
      %add3A_255 = arith.addi %mul3A_253, %add3A_254 : i32
      %eq3A = vector.broadcast %add3A_255 : i32 to vector<1x1024xi32>
      %eq3A_256 = arith.cmpi eq, %iota3A_215, %eq3A : vector<1x1024xi32>
      %jit3A_257 = arith.constant 0.000000e+00 : f32
      %broadcast_in_dim3A_258 = vector.broadcast %jit3A_257 : f32 to vector<1x1024xf32>
      %select_n3A_259 = arith.select %eq3A_256, %scan3A_246, %broadcast_in_dim3A_258 : vector<1x1024xi1>, vector<1x1024xf32>
      %reduce_sum3A = vector.shape_cast %select_n3A_259 : vector<1x1024xf32> to vector<1x1x1024xf32>
      %reduce_sum3A_260 = arith.constant dense<0.000000e+00> : vector<1xf32>
      %reduce_sum3A_261 = vector.multi_reduction <add>, %reduce_sum3A, %reduce_sum3A_260 [1, 2] : vector<1x1x1024xf32> to vector<1xf32>
      %reduce_sum3A_262 = vector.shape_cast %reduce_sum3A_261 : vector<1xf32> to vector<1x1x1xf32>
      %reduce_sum3A_263 = vector.extract %reduce_sum3A_262[0, 0, 0] : f32 from vector<1x1x1xf32>
      %broadcast_in_dim3A_264 = vector.broadcast %reduce_sum3A_263 : f32 to vector<1x1xf32>
      %mul3A_265 = vector.broadcast %broadcast_in_dim3A_264 : vector<1x1xf32> to vector<1x1024xf32>
      %mul3A_266 = arith.mulf %slice3A, %mul3A_265 : vector<1x1024xf32>
      %sub3A_267 = arith.constant 1.000000e+00 : f32
      %sub3A_268 = vector.broadcast %sub3A_267 : f32 to vector<1x1024xf32>
      %sub3A_269 = arith.subf %sub3A_268, %mul3A_266 : vector<1x1024xf32>
      %mul3A_270 = arith.mulf %scan3A_246, %sub3A_269 : vector<1x1024xf32>
      %slice3A_271 = vector.extract_strided_slice %reshape3A_251 {offsets = [1, 0], sizes = [1, 1024], strides = [1, 1]} : vector<8x1024xf32> to vector<1x1024xf32>
      %add3A_272 = arith.constant 1 : i32
      %add3A_273 = arith.addi %mul3A_253, %add3A_272 : i32
      %eq3A_274 = vector.broadcast %add3A_273 : i32 to vector<1x1024xi32>
      %eq3A_275 = arith.cmpi eq, %iota3A_215, %eq3A_274 : vector<1x1024xi32>
      %jit3A_276 = arith.constant 0.000000e+00 : f32
      %broadcast_in_dim3A_277 = vector.broadcast %jit3A_276 : f32 to vector<1x1024xf32>
      %select_n3A_278 = arith.select %eq3A_275, %mul3A_270, %broadcast_in_dim3A_277 : vector<1x1024xi1>, vector<1x1024xf32>
      %reduce_sum3A_279 = vector.shape_cast %select_n3A_278 : vector<1x1024xf32> to vector<1x1x1024xf32>
      %reduce_sum3A_280 = arith.constant dense<0.000000e+00> : vector<1xf32>
      %reduce_sum3A_281 = vector.multi_reduction <add>, %reduce_sum3A_279, %reduce_sum3A_280 [1, 2] : vector<1x1x1024xf32> to vector<1xf32>
      %reduce_sum3A_282 = vector.shape_cast %reduce_sum3A_281 : vector<1xf32> to vector<1x1x1xf32>
      %reduce_sum3A_283 = vector.extract %reduce_sum3A_282[0, 0, 0] : f32 from vector<1x1x1xf32>
      %broadcast_in_dim3A_284 = vector.broadcast %reduce_sum3A_283 : f32 to vector<1x1xf32>
      %mul3A_285 = vector.broadcast %broadcast_in_dim3A_284 : vector<1x1xf32> to vector<1x1024xf32>
      %mul3A_286 = arith.mulf %slice3A_271, %mul3A_285 : vector<1x1024xf32>
      %sub3A_287 = arith.constant 1.000000e+00 : f32
      %sub3A_288 = vector.broadcast %sub3A_287 : f32 to vector<1x1024xf32>
      %sub3A_289 = arith.subf %sub3A_288, %mul3A_286 : vector<1x1024xf32>
      %mul3A_290 = arith.mulf %mul3A_270, %sub3A_289 : vector<1x1024xf32>
      %slice3A_291 = vector.extract_strided_slice %reshape3A_251 {offsets = [2, 0], sizes = [1, 1024], strides = [1, 1]} : vector<8x1024xf32> to vector<1x1024xf32>
      %add3A_292 = arith.constant 2 : i32
      %add3A_293 = arith.addi %mul3A_253, %add3A_292 : i32
      %eq3A_294 = vector.broadcast %add3A_293 : i32 to vector<1x1024xi32>
      %eq3A_295 = arith.cmpi eq, %iota3A_215, %eq3A_294 : vector<1x1024xi32>
      %jit3A_296 = arith.constant 0.000000e+00 : f32
      %broadcast_in_dim3A_297 = vector.broadcast %jit3A_296 : f32 to vector<1x1024xf32>
      %select_n3A_298 = arith.select %eq3A_295, %mul3A_290, %broadcast_in_dim3A_297 : vector<1x1024xi1>, vector<1x1024xf32>
      %reduce_sum3A_299 = vector.shape_cast %select_n3A_298 : vector<1x1024xf32> to vector<1x1x1024xf32>
      %reduce_sum3A_300 = arith.constant dense<0.000000e+00> : vector<1xf32>
      %reduce_sum3A_301 = vector.multi_reduction <add>, %reduce_sum3A_299, %reduce_sum3A_300 [1, 2] : vector<1x1x1024xf32> to vector<1xf32>
      %reduce_sum3A_302 = vector.shape_cast %reduce_sum3A_301 : vector<1xf32> to vector<1x1x1xf32>
      %reduce_sum3A_303 = vector.extract %reduce_sum3A_302[0, 0, 0] : f32 from vector<1x1x1xf32>
      %broadcast_in_dim3A_304 = vector.broadcast %reduce_sum3A_303 : f32 to vector<1x1xf32>
      %mul3A_305 = vector.broadcast %broadcast_in_dim3A_304 : vector<1x1xf32> to vector<1x1024xf32>
      %mul3A_306 = arith.mulf %slice3A_291, %mul3A_305 : vector<1x1024xf32>
      %sub3A_307 = arith.constant 1.000000e+00 : f32
      %sub3A_308 = vector.broadcast %sub3A_307 : f32 to vector<1x1024xf32>
      %sub3A_309 = arith.subf %sub3A_308, %mul3A_306 : vector<1x1024xf32>
      %mul3A_310 = arith.mulf %mul3A_290, %sub3A_309 : vector<1x1024xf32>
      %slice3A_311 = vector.extract_strided_slice %reshape3A_251 {offsets = [3, 0], sizes = [1, 1024], strides = [1, 1]} : vector<8x1024xf32> to vector<1x1024xf32>
      %add3A_312 = arith.constant 3 : i32
      %add3A_313 = arith.addi %mul3A_253, %add3A_312 : i32
      %eq3A_314 = vector.broadcast %add3A_313 : i32 to vector<1x1024xi32>
      %eq3A_315 = arith.cmpi eq, %iota3A_215, %eq3A_314 : vector<1x1024xi32>
      %jit3A_316 = arith.constant 0.000000e+00 : f32
      %broadcast_in_dim3A_317 = vector.broadcast %jit3A_316 : f32 to vector<1x1024xf32>
      %select_n3A_318 = arith.select %eq3A_315, %mul3A_310, %broadcast_in_dim3A_317 : vector<1x1024xi1>, vector<1x1024xf32>
      %reduce_sum3A_319 = vector.shape_cast %select_n3A_318 : vector<1x1024xf32> to vector<1x1x1024xf32>
      %reduce_sum3A_320 = arith.constant dense<0.000000e+00> : vector<1xf32>
      %reduce_sum3A_321 = vector.multi_reduction <add>, %reduce_sum3A_319, %reduce_sum3A_320 [1, 2] : vector<1x1x1024xf32> to vector<1xf32>
      %reduce_sum3A_322 = vector.shape_cast %reduce_sum3A_321 : vector<1xf32> to vector<1x1x1xf32>
      %reduce_sum3A_323 = vector.extract %reduce_sum3A_322[0, 0, 0] : f32 from vector<1x1x1xf32>
      %broadcast_in_dim3A_324 = vector.broadcast %reduce_sum3A_323 : f32 to vector<1x1xf32>
      %mul3A_325 = vector.broadcast %broadcast_in_dim3A_324 : vector<1x1xf32> to vector<1x1024xf32>
      %mul3A_326 = arith.mulf %slice3A_311, %mul3A_325 : vector<1x1024xf32>
      %sub3A_327 = arith.constant 1.000000e+00 : f32
      %sub3A_328 = vector.broadcast %sub3A_327 : f32 to vector<1x1024xf32>
      %sub3A_329 = arith.subf %sub3A_328, %mul3A_326 : vector<1x1024xf32>
      %mul3A_330 = arith.mulf %mul3A_310, %sub3A_329 : vector<1x1024xf32>
      %slice3A_331 = vector.extract_strided_slice %reshape3A_251 {offsets = [4, 0], sizes = [1, 1024], strides = [1, 1]} : vector<8x1024xf32> to vector<1x1024xf32>
      %add3A_332 = arith.constant 4 : i32
      %add3A_333 = arith.addi %mul3A_253, %add3A_332 : i32
      %eq3A_334 = vector.broadcast %add3A_333 : i32 to vector<1x1024xi32>
      %eq3A_335 = arith.cmpi eq, %iota3A_215, %eq3A_334 : vector<1x1024xi32>
      %jit3A_336 = arith.constant 0.000000e+00 : f32
      %broadcast_in_dim3A_337 = vector.broadcast %jit3A_336 : f32 to vector<1x1024xf32>
      %select_n3A_338 = arith.select %eq3A_335, %mul3A_330, %broadcast_in_dim3A_337 : vector<1x1024xi1>, vector<1x1024xf32>
      %reduce_sum3A_339 = vector.shape_cast %select_n3A_338 : vector<1x1024xf32> to vector<1x1x1024xf32>
      %reduce_sum3A_340 = arith.constant dense<0.000000e+00> : vector<1xf32>
      %reduce_sum3A_341 = vector.multi_reduction <add>, %reduce_sum3A_339, %reduce_sum3A_340 [1, 2] : vector<1x1x1024xf32> to vector<1xf32>
      %reduce_sum3A_342 = vector.shape_cast %reduce_sum3A_341 : vector<1xf32> to vector<1x1x1xf32>
      %reduce_sum3A_343 = vector.extract %reduce_sum3A_342[0, 0, 0] : f32 from vector<1x1x1xf32>
      %broadcast_in_dim3A_344 = vector.broadcast %reduce_sum3A_343 : f32 to vector<1x1xf32>
      %mul3A_345 = vector.broadcast %broadcast_in_dim3A_344 : vector<1x1xf32> to vector<1x1024xf32>
      %mul3A_346 = arith.mulf %slice3A_331, %mul3A_345 : vector<1x1024xf32>
      %sub3A_347 = arith.constant 1.000000e+00 : f32
      %sub3A_348 = vector.broadcast %sub3A_347 : f32 to vector<1x1024xf32>
      %sub3A_349 = arith.subf %sub3A_348, %mul3A_346 : vector<1x1024xf32>
      %mul3A_350 = arith.mulf %mul3A_330, %sub3A_349 : vector<1x1024xf32>
      %slice3A_351 = vector.extract_strided_slice %reshape3A_251 {offsets = [5, 0], sizes = [1, 1024], strides = [1, 1]} : vector<8x1024xf32> to vector<1x1024xf32>
      %add3A_352 = arith.constant 5 : i32
      %add3A_353 = arith.addi %mul3A_253, %add3A_352 : i32
      %eq3A_354 = vector.broadcast %add3A_353 : i32 to vector<1x1024xi32>
      %eq3A_355 = arith.cmpi eq, %iota3A_215, %eq3A_354 : vector<1x1024xi32>
      %jit3A_356 = arith.constant 0.000000e+00 : f32
      %broadcast_in_dim3A_357 = vector.broadcast %jit3A_356 : f32 to vector<1x1024xf32>
      %select_n3A_358 = arith.select %eq3A_355, %mul3A_350, %broadcast_in_dim3A_357 : vector<1x1024xi1>, vector<1x1024xf32>
      %reduce_sum3A_359 = vector.shape_cast %select_n3A_358 : vector<1x1024xf32> to vector<1x1x1024xf32>
      %reduce_sum3A_360 = arith.constant dense<0.000000e+00> : vector<1xf32>
      %reduce_sum3A_361 = vector.multi_reduction <add>, %reduce_sum3A_359, %reduce_sum3A_360 [1, 2] : vector<1x1x1024xf32> to vector<1xf32>
      %reduce_sum3A_362 = vector.shape_cast %reduce_sum3A_361 : vector<1xf32> to vector<1x1x1xf32>
      %reduce_sum3A_363 = vector.extract %reduce_sum3A_362[0, 0, 0] : f32 from vector<1x1x1xf32>
      %broadcast_in_dim3A_364 = vector.broadcast %reduce_sum3A_363 : f32 to vector<1x1xf32>
      %mul3A_365 = vector.broadcast %broadcast_in_dim3A_364 : vector<1x1xf32> to vector<1x1024xf32>
      %mul3A_366 = arith.mulf %slice3A_351, %mul3A_365 : vector<1x1024xf32>
      %sub3A_367 = arith.constant 1.000000e+00 : f32
      %sub3A_368 = vector.broadcast %sub3A_367 : f32 to vector<1x1024xf32>
      %sub3A_369 = arith.subf %sub3A_368, %mul3A_366 : vector<1x1024xf32>
      %mul3A_370 = arith.mulf %mul3A_350, %sub3A_369 : vector<1x1024xf32>
      %slice3A_371 = vector.extract_strided_slice %reshape3A_251 {offsets = [6, 0], sizes = [1, 1024], strides = [1, 1]} : vector<8x1024xf32> to vector<1x1024xf32>
      %add3A_372 = arith.constant 6 : i32
      %add3A_373 = arith.addi %mul3A_253, %add3A_372 : i32
      %eq3A_374 = vector.broadcast %add3A_373 : i32 to vector<1x1024xi32>
      %eq3A_375 = arith.cmpi eq, %iota3A_215, %eq3A_374 : vector<1x1024xi32>
      %jit3A_376 = arith.constant 0.000000e+00 : f32
      %broadcast_in_dim3A_377 = vector.broadcast %jit3A_376 : f32 to vector<1x1024xf32>
      %select_n3A_378 = arith.select %eq3A_375, %mul3A_370, %broadcast_in_dim3A_377 : vector<1x1024xi1>, vector<1x1024xf32>
      %reduce_sum3A_379 = vector.shape_cast %select_n3A_378 : vector<1x1024xf32> to vector<1x1x1024xf32>
      %reduce_sum3A_380 = arith.constant dense<0.000000e+00> : vector<1xf32>
      %reduce_sum3A_381 = vector.multi_reduction <add>, %reduce_sum3A_379, %reduce_sum3A_380 [1, 2] : vector<1x1x1024xf32> to vector<1xf32>
      %reduce_sum3A_382 = vector.shape_cast %reduce_sum3A_381 : vector<1xf32> to vector<1x1x1xf32>
      %reduce_sum3A_383 = vector.extract %reduce_sum3A_382[0, 0, 0] : f32 from vector<1x1x1xf32>
      %broadcast_in_dim3A_384 = vector.broadcast %reduce_sum3A_383 : f32 to vector<1x1xf32>
      %mul3A_385 = vector.broadcast %broadcast_in_dim3A_384 : vector<1x1xf32> to vector<1x1024xf32>
      %mul3A_386 = arith.mulf %slice3A_371, %mul3A_385 : vector<1x1024xf32>
      %sub3A_387 = arith.constant 1.000000e+00 : f32
      %sub3A_388 = vector.broadcast %sub3A_387 : f32 to vector<1x1024xf32>
      %sub3A_389 = arith.subf %sub3A_388, %mul3A_386 : vector<1x1024xf32>
      %mul3A_390 = arith.mulf %mul3A_370, %sub3A_389 : vector<1x1024xf32>
      %slice3A_391 = vector.extract_strided_slice %reshape3A_251 {offsets = [7, 0], sizes = [1, 1024], strides = [1, 1]} : vector<8x1024xf32> to vector<1x1024xf32>
      %add3A_392 = arith.constant 7 : i32
      %add3A_393 = arith.addi %mul3A_253, %add3A_392 : i32
      %eq3A_394 = vector.broadcast %add3A_393 : i32 to vector<1x1024xi32>
      %eq3A_395 = arith.cmpi eq, %iota3A_215, %eq3A_394 : vector<1x1024xi32>
      %jit3A_396 = arith.constant 0.000000e+00 : f32
      %broadcast_in_dim3A_397 = vector.broadcast %jit3A_396 : f32 to vector<1x1024xf32>
      %select_n3A_398 = arith.select %eq3A_395, %mul3A_390, %broadcast_in_dim3A_397 : vector<1x1024xi1>, vector<1x1024xf32>
      %reduce_sum3A_399 = vector.shape_cast %select_n3A_398 : vector<1x1024xf32> to vector<1x1x1024xf32>
      %reduce_sum3A_400 = arith.constant dense<0.000000e+00> : vector<1xf32>
      %reduce_sum3A_401 = vector.multi_reduction <add>, %reduce_sum3A_399, %reduce_sum3A_400 [1, 2] : vector<1x1x1024xf32> to vector<1xf32>
      %reduce_sum3A_402 = vector.shape_cast %reduce_sum3A_401 : vector<1xf32> to vector<1x1x1xf32>
      %reduce_sum3A_403 = vector.extract %reduce_sum3A_402[0, 0, 0] : f32 from vector<1x1x1xf32>
      %broadcast_in_dim3A_404 = vector.broadcast %reduce_sum3A_403 : f32 to vector<1x1xf32>
      %mul3A_405 = vector.broadcast %broadcast_in_dim3A_404 : vector<1x1xf32> to vector<1x1024xf32>
      %mul3A_406 = arith.mulf %slice3A_391, %mul3A_405 : vector<1x1024xf32>
      %sub3A_407 = arith.constant 1.000000e+00 : f32
      %sub3A_408 = vector.broadcast %sub3A_407 : f32 to vector<1x1024xf32>
      %sub3A_409 = arith.subf %sub3A_408, %mul3A_406 : vector<1x1024xf32>
      %mul3A_410 = arith.mulf %mul3A_390, %sub3A_409 : vector<1x1024xf32>
      scf.yield %mul3A_410 : vector<1x1024xf32>
    }
    %scan3A_226 = arith.constant 128 : i32
    %squeeze3A = vector.shape_cast %scan3A_225 : vector<1x1024xf32> to vector<1024xf32>
    %gt3A_227 = arith.constant 5.000000e-01 : f32
    %gt3A_228 = vector.broadcast %gt3A_227 : f32 to vector<1024xf32>
    %gt3A_229 = arith.cmpf ogt, %squeeze3A, %gt3A_228 : vector<1024xf32>
    %gt3A_230 = arith.constant -1.000000e+20 : f32
    %gt3A_231 = vector.broadcast %gt3A_230 : f32 to vector<1024xf32>
    %gt3A_232 = arith.cmpf ogt, %get3A_3, %gt3A_231 : vector<1024xf32>
    %jit3A_233 = arith.constant -1.000000e+10 : f32
    %jit3A_234 = arith.constant -1.000000e+30 : f32
    %broadcast_in_dim3A_235 = vector.broadcast %jit3A_233 : f32 to vector<1024xf32>
    %broadcast_in_dim3A_236 = vector.broadcast %jit3A_234 : f32 to vector<1024xf32>
    %select_n3A_237 = arith.select %gt3A_232, %broadcast_in_dim3A_235, %broadcast_in_dim3A_236 : vector<1024xi1>, vector<1024xf32>
    %select_n3A_238 = arith.select %gt3A_229, %get3A_3, %select_n3A_237 : vector<1024xi1>, vector<1024xf32>
    %swap3A_239 = arith.constant 0 : index
    %swap3A_240 = arith.constant 0 : index
    %swap3A_241 = arith.constant 0 : index
    %swap3A_242 = vector.load %arg2[%swap3A_239, %swap3A_240, %swap3A_241] : memref<1x8x1024xf32, #tpu.memory_space<vmem>>, vector<1x1x1024xf32>
    %swap3A_243 = vector.shape_cast %swap3A_242 : vector<1x1x1024xf32> to vector<1024xf32>
    %swap3A_244 = vector.shape_cast %select_n3A_238 : vector<1024xf32> to vector<1x1x1024xf32>
    tpu.vector_store %arg2[%swap3A_239, %swap3A_240, %swap3A_241], %swap3A_244 {strides = array<i32>} : memref<1x8x1024xf32, #tpu.memory_space<vmem>>, vector<1x1x1024xf32>,
    return
  }
  func.func @transform_0(%arg0: i32) -> (i32, i32, i32) {
    %c0_i32 = arith.constant 0 : i32
    %c0_i32_0 = arith.constant 0 : i32
    %c0_i32_1 = arith.constant 0 : i32
    return %arg0, %c0_i32, %c0_i32_0 : i32, i32, i32
  }
  func.func @transform_1(%arg0: i32) -> (i32, i32, i32) {
    %c0_i32 = arith.constant 0 : i32
    %c0_i32_0 = arith.constant 0 : i32
    %c0_i32_1 = arith.constant 0 : i32
    return %arg0, %c0_i32, %c0_i32_0 : i32, i32, i32
  }
}

</mosaic_0001>

<sc_bundles>
// kernel: gather_offload_async_start.1
scs
__scs_entry_jumppad:
0x0: {  	(pc) =	sbr.rel $0x88, $3  }
0x1: {  	(tag) =	ssettag $0x0;
	lr =	simm.s32 $0x1  }
0x2: {  	[smem:$0x3F9E] =	sst lr;
	_ =	strace $0xD0000000  }
0x3: {  	_ = 	snop  }
0x4: {  	_ = 	snop  }
0x5: {  	_ = 	snop  }
0x6: {  	_ = 	snop  }
0x7: {  	_ = 	snop  }
__scs_overlays_trampoline_lowered:
0x8: {  	[smem:$0x3FAD] =	sst s0  }
0x9: {  	[smem:$0x3FAE] =	sst s1  }
0xa: {  	[smem:$0x3FAF] =	sst s2  }
0xb: {  	[smem:$0x3FB0] =	sst s3  }
0xc: {  	[smem:$0x3FB1] =	sst s4  }
0xd: {  	[smem:$0x3FB2] =	sst s5  }
0xe: {  	[smem:$0x3FB3] =	sst s6  }
0xf: {  	[smem:$0x3FB4] =	sst s7  }
0x10: {  	[smem:$0x3FB5] =	sst s8  }
0x11: {  	[smem:$0x3FB6] =	sst s9;
	s0 =	simm.s32 @!p0 $0x0  }
0x12: {  	s1 =	sld [smem:$0x3F9C];
	s0 =	simm.s32 @p0 $0x1  }
0x13: {  	[smem:$0x3FB7] =	sst s0;
	s0 =	simm.s32 @!p1 $0x0  }
0x14: {  	s2 =	sld [smem:$0x3F9B];
	s0 =	simm.s32 @p1 $0x1  }
0x15: {  	[smem:$0x3FB8] =	sst s0;
	s0 =	simm.s32 @!p2 $0x0  }
0x16: {  	s3 =	sld [smem:$0x3FDB];
	s0 =	simm.s32 @p2 $0x1  }
0x17: {  	s4 =	simm.s32 $0x1BF5;
	[smem:$0x3FBA] =	sst s0  }
0x18: {  	s0 =	sld [smem:$0x3F9D];
	_ =	swait.ge [sflag:s4], $0x0  }
0x19: {  	s7 =	sld [smem:$0x3F9E]  }
0x1a: {  	s8 =	sadd.s32 $0xFFFFE003, lr  }
0x1b: {  	s9 =	sadd.s32 $0xFFFFFEF7, lr;
	s5 =	simm.s32 $0xFFFFFFFF;
	p2 =	slt.u32 s8, $0xFFFFF086  }
0x1c: {  	p1 =	slt.u32 s9, $0xF7A;
	s5 =	simm.s32 @!p2 $0x0  }
0x1d: {  	s5 =	simm.s32 @p1 $0x1;
	p0 =	seq.s32 s7, s2  }
0x1e: {  	s7 =	smul.u32 @!p0 $0xF7A, s2;
	p2 =	seq.s32 @!p0 s5, $0x0  }
0x1f: {  	s9 =	smul.u32 $0xF7A, s1;
	s8 =	simm.s32 @!p0 $0x1BF5;
	p2 =	por !p2, p0  }
0x20: {  	[sflag:s8] =	ssyncset.s32 @!p0 $0xFFFFF086;
	s6 =	sadd.s32 @!p0 s3, s7;
	s7 =	simm.s32 @!p0 $0x108  }
0x21: {  	s3 =	sadd.s32 s3, s9;
	s6 =	sadd.s32 @!p0 $0x88, s6;
	s7 =	simm.s32 @p2 $0x1082  }
0x22: {  	[simem:s7], [sflag:s8] =	dma.local @!p0 [hbm:s6], $0xF7A  }
0x23: {  	s9 =	sor.u32 $0xD0000000, s2;
	s6 =	simm.s32 $0x108;
	_ =	swait.ge @!p0 [sflag:s8], $0x0  }
0x24: {  	s3 =	sadd.s32 $0x88, s3;
	s6 =	simm.s32 @!p1 $0x1082;
	[sflag:s4] =	ssyncset.s32 $0xFFFFF086  }
0x25: {  	[simem:s6], [sflag:s4] =	dma.local [hbm:s3], $0xF7A  }
0x26: {  	[smem:$0x3F9E] =	sst s1;
	(tag) =	ssettag s2;
	_ =	strace s9  }
0x27: {  	s1 =	sld [smem:$0x3FAE]  }
0x28: {  	s2 =	sld [smem:$0x3FAF]  }
0x29: {  	s4 =	sld [smem:$0x3FB1]  }
0x2a: {  	p0 =	seq.s32 s5, $0x0;
	s5 =	sld [smem:$0x3FB2]  }
0x2b: {  	s6 =	sld [smem:$0x3FB3]  }
0x2c: {  	s7 =	sld [smem:$0x3FB4]  }
0x2d: {  	s3 =	simm.s32 $0x108;
	s8 =	sld [smem:$0x3FB5]  }
0x2e: {  	s3 =	simm.s32 @!p0 $0x1082;
	s9 =	sld [smem:$0x3FB6]  }
0x2f: {  	lr =	sadd.s32 s0, s3;
	s0 =	sld [smem:$0x3FAD]  }
0x30: {  	s3 =	sld [smem:$0x3FB0]  }
0x31: {  	[smem:$0x3FB9] =	sst s10  }
0x32: {  	s10 =	sld [smem:$0x3FB7];
	_ =	sdelay $0x3  }
0x33: {  	p0 =	seq.s32 s10, $0x1;
	s10 =	sld [smem:$0x3FB9];
	_ =	sdelay $0x3  }
0x34: {  	[smem:$0x3FB9] =	sst s10  }
0x35: {  	s10 =	sld [smem:$0x3FB8];
	_ =	sdelay $0x3  }
0x36: {  	p1 =	seq.s32 s10, $0x1;
	s10 =	sld [smem:$0x3FB9];
	_ =	sdelay $0x3  }
0x37: {  	[smem:$0x3FB9] =	sst s10  }
0x38: {  	s10 =	sld [smem:$0x3FBA]  }
0x39: {  	_ = 	snop;
	(pc) =	sbr.ind lr, $3  }
0x3a: {  	_ = 	snop  }
0x3b: {  	_ = 	snop  }
0x3c: {  	p2 =	seq.s32 s10, $0x1;
	s10 =	sld [smem:$0x3FB9]  }
0x3d: {  	_ =	shalt  }
0x3e: {  	_ =	shalt  }
0x3f: {  	_ =	shalt  }
0x40: {  	_ =	shalt  }
0x41: {  	_ =	shalt  }
0x42: {  	_ =	shalt  }
0x43: {  	_ =	shalt  }
0x44: {  	_ =	shalt  }
0x45: {  	_ =	shalt  }
0x46: {  	_ =	shalt  }
0x47: {  	_ =	shalt  }
0x48: {  	_ =	shalt  }
0x49: {  	_ =	shalt  }
0x4a: {  	_ =	shalt  }
0x4b: {  	_ =	shalt  }
0x4c: {  	_ =	shalt  }
0x4d: {  	_ =	shalt  }
0x4e: {  	_ =	shalt  }
0x4f: {  	_ =	shalt  }
0x50: {  	_ =	shalt  }
0x51: {  	_ =	shalt  }
0x52: {  	_ =	shalt  }
0x53: {  	_ =	shalt  }
0x54: {  	_ =	shalt  }
0x55: {  	_ =	shalt  }
0x56: {  	_ =	shalt  }
0x57: {  	_ =	shalt  }
0x58: {  	_ =	shalt  }
0x59: {  	_ =	shalt  }
0x5a: {  	_ =	shalt  }
0x5b: {  	_ =	shalt  }
0x5c: {  	_ =	shalt  }
0x5d: {  	_ =	shalt  }
0x5e: {  	_ =	shalt  }
0x5f: {  	_ =	shalt  }
0x60: {  	_ =	shalt  }
0x61: {  	_ =	shalt  }
0x62: {  	_ =	shalt  }
0x63: {  	_ =	shalt  }
0x64: {  	_ =	shalt  }
0x65: {  	_ =	shalt  }
0x66: {  	_ =	shalt  }
0x67: {  	_ =	shalt  }
0x68: {  	_ =	shalt  }
0x69: {  	_ =	shalt  }
0x6a: {  	_ =	shalt  }
0x6b: {  	_ =	shalt  }
0x6c: {  	_ =	shalt  }
0x6d: {  	_ =	shalt  }
0x6e: {  	_ =	shalt  }
0x6f: {  	_ =	shalt  }
0x70: {  	_ =	shalt  }
0x71: {  	_ =	shalt  }
0x72: {  	_ =	shalt  }
0x73: {  	_ =	shalt  }
0x74: {  	_ =	shalt  }
0x75: {  	_ =	shalt  }
0x76: {  	_ =	shalt  }
0x77: {  	_ =	shalt  }
0x78: {  	_ =	shalt  }
0x79: {  	_ =	shalt  }
0x7a: {  	_ =	shalt  }
0x7b: {  	_ =	shalt  }
0x7c: {  	_ =	shalt  }
0x7d: {  	_ =	shalt  }
0x7e: {  	_ =	shalt  }
0x7f: {  	_ =	shalt  }
0x80: {  	_ =	shalt  }
0x81: {  	_ =	shalt  }
0x82: {  	_ =	shalt  }
0x83: {  	_ =	shalt  }
0x84: {  	_ =	shalt  }
0x85: {  	_ =	shalt  }
0x86: {  	_ =	shalt  }
0x87: {  	_ =	shalt  }
.Lfunc_end0:
.L_simem_size_0:
called_computation.1_lowered:
.L_overlay_start_0:
0x88: {  	s0 =	sld [smem:$0x3FD9]  }
0x89: {  	s1 =	sld [smem:$0x3FFE];
	_ =	sdelay $0x3  }
0x8a: {  	s0 =	sadd.s32 s1, s0  }
0x8b: {  	[smem:$0x3FC5] =	sst s0  }
0x8c: {  	_ = 	snop  }
0x8d: {  	(tm) =	ssettm $0x1  }
0x8e: {  	s15 =	sld [smem:$0x3FFB];
	_ =	sdelay $0x3  }
0x8f: {  	_ =	strace s15  }
0x90: {  	s0 =	sld [smem:$0x3FFC];
	_ =	sdelay $0x3  }
0x91: {  	_ =	strace s0  }
0x92: {  	s0 =	sld [smem:$0x3FFD];
	_ =	sdelay $0x3  }
0x93: {  	_ =	strace s0  }
0x94: {  	_ =	strace $0x8FFFFFFF  }
0x95: {  	s16 =	sld [smem:$0x3FDB];
	_ =	sdelay $0x1  }
0x96: {  	s17 =	simm.s32 $_scs_section_size  }
0x97: {  	s2 =	simm.s32 $_size__tile_overlayer_lowered;
	s3 =	simm.s32 $_tile_overlayer_lowered  }
0x98: {  	s20 =	simm.s32 $0x1BFF;
	s19 =	sshll.u32 s3, $0x1;
	s0 =	sadd.s32 s17, s16  }
0x99: {  	s4 =	simm.s32 $0x0;
	s18 =	sshll.u32 s2, $0x1;
	s2 =	sadd.s32 s19, s0  }
0x9a: {  	[timem:s4], [sflag:s20] =	dma.local [hbm:s2], s18  }
0x9b: {  	_ =	swait.ge [sflag:s20], s18  }
0x9c: {  	s1 =	ssub.s32 $0x0, s18;
	[sflag:s20] =	ssyncset.done $0x0  }
0x9d: {  	[sflag:s20] =	ssyncadd.s32 s1;
	_ =	sdelay $0x1  }
0x9e: {  	s21 =	simm.s32 $0x1B8B  }
0x9f: {  	_ =	swait.ge [sflag:s21], $0x1  }
0xa0: {  	[sflag:s21] =	ssyncset.done $0x0  }
0xa1: {  	s23 =	simm.s32 $0x1B8E;
	s22 =	sld [smem:$0x3FFE];
	[sflag:s21] =	ssyncadd.s32 $0xFFFFFFFF  }
0xa2: {  	s24 =	simm.s32 $execute0_lowered;
	[smem:$0x3FD2] =	sst s23  }
0xa3: {  	s2 =	sshll.u32 s24, $0x1;
	_ =	strace $0x80000049;
	[dreg:$0x1] =	wrdreg $0xFFFFFFFF  }
0xa4: {  	s25 =	simm.s32 $_size_execute0_lowered;
	s0 =	sadd.s32 s0, s2;
	[dreg:$0x0] =	wrdreg $0x0  }
0xa5: {  	s2 =	sshll.u32 s25, $0x1;
	[dreg:$0x2] =	wrdreg s0  }
0xa6: {  	[dreg:$0x3] =	wrdreg s2  }
0xa7: {  	[dreg:$0x4] =	wrdreg $0xC0  }
0xa8: {  	_ =	task [dreg:s4], $0x5FFFF  }
0xa9: {  	[dreg:$0x1] =	wrdreg $0xFFFFFFFF  }
0xaa: {  	[dreg:$0x0] =	wrdreg $0x60  }
0xab: {  	[dreg:$0x2] =	wrdreg s22  }
0xac: {  	[dreg:$0x3] =	wrdreg $0xA  }
0xad: {  	_ =	task.clear_ibuf [dreg:s4], $0x4FFFF;
	_ =	strace $0x90000049  }
0xae: {  	s26 =	simm.s32 $0xA;
	_ =	strace $0x8000004B  }
0xaf: {  	_ =	swait.ge [sflag:s26], $0x1  }
0xb0: {  	[sflag:s26] =	ssyncadd.s32 $0xFFFFFFFF  }
0xb1: {  	_ =	strace $0x9000004B  }
0xb2: {  	_ =	sfence  }
0xb3: {  	s28 =	sld [smem:$0x0];
	_ =	sdelay $0x1  }
0xb4: {  	s29 =	srdreg.scid  }
0xb5: {  	s30 =	sshll.u32 s29, $0xD;
	s31 =	sshrl.u32 s29, $0x2  }
0xb6: {  	s1 =	sand.u32 $0x1, s29;
	s2 =	sand.u32 $0x4000, s30;
	s0 =	sadd.s32 s31, s28  }
0xb7: {  	s1 =	sor.u32 s2, s1;
	s0 =	sshll.u32 s0, $0x11  }
0xb8: {  	s0 =	sor.u32 s0, s1  }
0xb9: {  	s0 =	sadd.s32 $0x8F2B, s0  }
0xba: {  	[sflag:s0] =	ssyncadd.remote.s32 $0x1  }
0xbb: {  	_ =	sfence.sel $0xFFFF  }
0xbc: {  	[dreg:$0x0] =	wrdreg $0xFFFFFFFF;
	(pc) =	sbr.abs _section_cstart, $3  }
0xbd: {  	[dreg:$0x1] =	wrdreg $0xFFFFFFFF  }
0xbe: {  	_ =	task.clear_ibuf [dreg:s4], $0x2FFFF;
	_ =	strace $0x9FFFFFFF  }
0xbf: {  	(tm) =	ssettm $0x7FFFFFFF  }
tec
execute0_lowered:
.L_overlay_start_1:
0x0: {  	(tag) =	ssettag $0x1  }
0x1: {  	s0 =	stileid.u32  }
0x2: {  	s1 =	smin.u32 s0, $0x9  }
0x3: {  	s1 =	sadd.s32 s0, s1  }
0x4: {  	p0 =	slt.u32 s0, $0x9;
	s2 =	smul.u32 $0x50, s1;
	s1 =	simm.s32 $0xA0  }
0x5: {  	s1 =	simm.s32 @!p0 $0x50  }
0x6: {  	s1 =	sadd.s32 s1, s2  }
0x7: {  	s3 =	smin.u32 s1, $0x7D0  }
0x8: {  	s7 =	ssub.s32 s3, s2  }
0x9: {  	p0 =	sgt.s32 s7, $0x0  }
0xa: {  	s7 =	simm.s32 @!p0 $0x0  }
0xb: {  	s31 =	smul.u32 $0xCCCD, s7  }
0xc: {  	s9 =	rddreg [dreg:$0x0];
	s6 =	simm.s32 $0x1;
	s11 =	simm.s32 $0x3  }
0xd: {  	s13 =	simm.s32 $0x0;
	s12 =	simm.s32 $0x0;
	s8 =	sshrl.u32 s31, $0x16  }
0xe: {  	s4 =	sadd.s32 $0xF800, s9;
	s5 =	sadd.s32 $0x7800, s9;
	s10 =	smul.u32 $0x50, s8  }
.Ltmp0:
0xf: {  	s9 =	sadd.s32 $0x2CE00, s9;
	s1 =	rddreg [dreg:$0x1];
	(pc) =	sbr.rel .LBB2_1-.Ltmp0, $4  }
0x10: {  	_ =	strace $0x8000004A;
	p0 =	sne.s32 s7, s10;
	s10 =	simm.s32 $0x1  }
0x11: {  	[sflag:s6] =	ssyncpa.u1 $0x0;
	s7 =	simm.s32 $0x2;
	s10 =	simm.s32 @!p0 $0x0  }
0x12: {  	[sflag:s7] =	ssyncpa.u1 $0x0;
	p0 =	por $0x0, $0x0;
	s8 =	sadd.s32 s8, s10  }
0x13: {  	vm0 =	vmmov $0xff;
	vm1 =	vcmask $0x3F20;
	[sflag:s11] =	ssyncpa.u1 $0x0;
	s11 =	smov.u32 s2;
	s10 =	sadd.s32 $0x1, s8  }
.LBB2_6:
0x14: {  	[hbm:s17] =	stream.linear.scatter [tilespmem:s14], [sflag:$0x3], $0x400, $0x38;
	[tilespmem:$0x50A0] =	vst v63  }
.LBB2_7:
0x15: {  	s13 =	sadd.s32 $0x50, s11  }
0x16: {  	s15 =	smov.u32 s2;
	p2 =	slt.s32 s13, s3  }
0x17: {  	s15 =	smov.u32 @p2 s13;
	p2 =	sne.s32 s12, s10  }
.Ltmp1:
0x18: {  	p1 =	slt.u32 s12, $0x2;
	(pc) =	sbr.rel @!p2 .LBB2_8-.Ltmp1, $4  }
0x19: {  	s14 =	simm.s32 @!p1 $0x3  }
0x1a: {  	s16 =	sadd.s32 $0x1, s12;
	_ =	swait.ge @!p1 [sflag:s14], $0x2800  }
0x1b: {  	p0 =	por !p0, !p0;
	s13 =	smov.u32 s11;
	[sflag:s14] =	ssyncset.done @!p1 $0x0  }
0x1c: {  	s12 =	smov.u32 s16;
	s11 =	smov.u32 s15;
	[sflag:s14] =	ssyncadd.s32 @!p1 $0xFFFFD800  }
.LBB2_1:
0x1d: {  	p1 =	sge.u32 s12, s8  }
0x1e: {  	s14 =	sxor.u32 @!p1 $0xFFFFFFFF, s12  }
0x1f: {  	s14 =	sand.u32 @!p1 $0x1, s14  }
0x20: {  	s14 =	smul.u32 @!p1 $0x140, s14  }
0x21: {  	s31 =	sadd.s32 $0xFFFFFFFF, s12;
	s15 =	sshrl.u32 @!p1 s11, $0x3  }
0x22: {  	s16 =	sand.u32 @!p1 $0x7, s11;
	s15 =	sadd.s32 @!p1 s5, s15;
	s14 =	sshrl.u32 @!p1 s14, $0x2  }
0x23: {  	[tilespmem:s14], [sflag:$0x2] =	stream.linear.gather @!p1 [hbm4b:s15+s16], $0x50, $0x38;
	[tilespmem:$0x50A0] =	vst v63  }
0x24: {  	p1 =	sge.u32 s31, s8  }
.Ltmp2:
0x25: {  	_ = 	snop;
	(pc) =	sbr.rel @p1 .LBB2_7-.Ltmp2, $1  }
0x26: {  	_ =	sdelay $0x3  }
0x27: {  	s14 =	simm.s32 $0x1  }
0x28: {  	s14 =	simm.s32 @!p0 $0x0  }
0x29: {  	s15 =	smul.u32 $0x140, s14  }
0x2a: {  	_ =	swait.ge [sflag:s7], $0x50  }
0x2b: {  	[sflag:s7] =	ssyncset.done $0x0;
	s16 =	sshrl.u32 s15, $0x2  }
0x2c: {  	[sflag:s7] =	ssyncadd.s32 $0xFFFFFFB0;
	s15 =	sadd.s32 $0x0, s16  }
0x2d: {  	v0 =	vld.msk [tilespmem:s15+$0x0 ss:$0x1], $0xffff;
	_ =	sdelay $0x4  }
0x2e: {  	vm2 =	vgt.s32 v0, $0x0  }
0x2f: {  	v0 =	vnsel vm2, $0x0, v0  }
0x30: {  	v0 =	vmin.u32 v0, $0x1D4B  }
0x31: {  	v0 =	vshll.u32 v0, $0x4  }
0x32: {  	s14 =	smul.u32 $0xA000, s14;
	_ =	sdelay $0x1  }
0x33: {  	s14 =	sshrl.u32 s14, $0x2  }
0x34: {  	s14 =	sor.u32 $0xA0, s14  }
0x35: {  	[tilespmem:s14], [sflag:$0x1] =	stream.indirect_vreg.gather [hbm:s4], $0x80, v0, vm0, $0x38;
	[tilespmem:$0x50A0] =	vst v63  }
0x36: {  	s17 =	sadd.s32 $0x10, s16;
	s15 =	sadd.s32 $0x400, s14  }
0x37: {  	[tilespmem:s15], [sflag:$0x1] =	stream.indirect_vreg.gather [hbm:s4], $0x80, v0, vm1, $0x38;
	[tilespmem:$0x50A0] =	vst v63  }
0x38: {  	s18 =	simm.s32 $0x80;
	v0 =	vld.msk [tilespmem:s17+$0x0 ss:$0x1], $0xffff;
	s17 =	smov.u32 s14  }
.LBB2_3:
0x39: {  	p1 =	sne.s32 s18, $0x100;
	_ =	sdelay $0x4  }
0x3a: {  	vm2 =	vgt.s32 v0, $0x0  }
0x3b: {  	v0 =	vnsel vm2, $0x0, v0  }
0x3c: {  	v0 =	vmin.u32 v0, $0x1D4B  }
0x3d: {  	v0 =	vshll.u32 v0, $0x4;
	_ =	sdelay $0x3  }
.Ltmp3:
0x3e: {  	s19 =	sshra.s32 s18, $0x2;
	s17 =	sadd.s32 $0x800, s17;
	(pc) =	sbr.rel @p1 .LBB2_3-.Ltmp3, $4  }
0x3f: {  	[tilespmem:s17], [sflag:$0x1] =	stream.indirect_vreg.gather [hbm:s4], $0x80, v0, vm0, $0x38;
	[tilespmem:$0x50A0] =	vst v63  }
0x40: {  	s19 =	sadd.s32 s19, s16;
	s20 =	sadd.s32 $0x400, s17  }
0x41: {  	[tilespmem:s20], [sflag:$0x1] =	stream.indirect_vreg.gather [hbm:s4], $0x80, v0, vm1, $0x38;
	[tilespmem:$0x50A0] =	vst v63  }
0x42: {  	s18 =	sadd.s32 $0x40, s18;
	v0 =	vld.msk [tilespmem:s19+$0x0 ss:$0x1], $0xffff  }
0x43: {  	_ =	sdelay $0x3  }
0x44: {  	vm2 =	vgt.s32 v0, $0x0  }
0x45: {  	v0 =	vnsel vm2, $0x0, v0  }
0x46: {  	v0 =	vmin.u32 v0, $0x1D4B  }
0x47: {  	v0 =	vshll.u32 v0, $0x4;
	_ =	sdelay $0x3  }
0x48: {  	s16 =	sadd.s32 $0x800, s17  }
0x49: {  	[tilespmem:s16], [sflag:$0x1] =	stream.indirect_vreg.gather [hbm:s4], $0x80, v0, vm0, $0x38;
	[tilespmem:$0x50A0] =	vst v63  }
0x4a: {  	s16 =	sadd.s32 $0x400, s16  }
0x4b: {  	[tilespmem:s16], [sflag:$0x1] =	stream.indirect_vreg.gather [hbm:s4], $0x80, v0, vm1, $0x38;
	[tilespmem:$0x50A0] =	vst v63  }
0x4c: {  	s13 =	sshll.u32 s13, $0x4;
	_ =	swait.ge [sflag:s6], $0x2800  }
0x4d: {  	s13 =	sadd.s32 s13, s9;
	[sflag:s6] =	ssyncset.done $0x0  }
0x4e: {  	s17 =	sadd.s32 $0x0, s13;
	s16 =	simm.s32 $0x80;
	[sflag:s6] =	ssyncadd.s32 $0xFFFFD800  }
.LBB2_5:
0x4f: {  	[hbm:s17] =	stream.linear.scatter [tilespmem:s14], [sflag:$0x3], $0x400, $0x38;
	[tilespmem:$0x50A0] =	vst v63  }
0x50: {  	s17 =	smov.u32 s16;
	s14 =	smov.u32 s15;
	p1 =	sne.s32 s16, $0x480  }
.Ltmp4:
0x51: {  	s16 =	sadd.s32 $0x80, s16;
	(pc) =	sbr.rel @p1 .LBB2_5-.Ltmp4, $2  }
0x52: {  	_ =	sdelay $0x2  }
0x53: {  	s15 =	sadd.s32 $0x400, s15;
	s17 =	sadd.s32 s17, s13  }
.Ltmp5:
0x54: {  	_ = 	snop;
	(pc) =	sbr.rel .LBB2_6-.Ltmp5, $1  }
0x55: {  	_ =	sdelay $0x3  }
.LBB2_8:
0x56: {  	_ =	sfence.sel $0x180000  }
0x57: {  	s2 =	simm.s32 $0x2;
	[bflag:$0x0] =	sbarrier.arrive $0xFFFF  }
0x58: {  	s30 =	simm.s32 $0x3;
	[sflag:s2] =	ssyncpa.u1 $0x1  }
0x59: {  	s31 =	simm.s32 $0x1;
	[sflag:s30] =	ssyncpa.u1 $0x1  }
0x5a: {  	[sflag:s31] =	ssyncpa.u1 $0x1  }
0x5b: {  	p0 =	sne.s32 s0, $0x0;
	_ =	strace $0x9000004A  }
0x5c: {  	s0 =	sadd.s32 @!p0 $0x100000, s1;
	[bflag:$0x2] =	sbarrier.arrive $0xFFFF  }
0x5d: {  	[sflag:s0] =	ssyncadd.tile.s32 @!p0 $0x1;
	_ =	shalt  }
.Lfunc_end2:
_tile_overlayer_lowered:
.L_overlay_start_2:
0x5e: {  	(tag) =	ssettag $0x2  }
0x5f: {  	s0 =	rddreg [dreg:$0x0];
	s2 =	stileid.u32  }
0x60: {  	s1 =	rddreg [dreg:$0x1];
	p0 =	sne.s32 s2, $0x0  }
0x61: {  	s3 =	rddreg [dreg:$0x2];
	[bflag:$0x3] =	sbarrier.arrive $0xFFFF;
	s2 =	simm.s32 @!p0 $0x1C01  }
0x62: {  	[timem:s3], [sflag:s2] =	dma.local @!p0 [hbm:s0], s1  }
0x63: {  	s0 =	simm.s32 @!p0 $0x1  }
0x64: {  	_ =	swait.ge @!p0 [sflag:s0], s1  }
0x65: {  	s1 =	ssub.s32 @!p0 $0x0, s1;
	[sflag:s0] =	ssyncset.done @!p0 $0x0  }
0x66: {  	[sflag:s0] =	ssyncadd.s32 @!p0 s1  }
0x67: {  	[bflag:$0x3] =	sbarrier.arrive $0xFFFF  }
0x68: {  	_ =	shalt  }

// kernel: gather_offload_async_start.2
scs
__scs_entry_jumppad:
0x0: {  	(pc) =	sbr.rel $0x88, $3  }
0x1: {  	(tag) =	ssettag $0x0;
	lr =	simm.s32 $0x1  }
0x2: {  	[smem:$0x3F9E] =	sst lr;
	_ =	strace $0xD0000000  }
0x3: {  	_ = 	snop  }
0x4: {  	_ = 	snop  }
0x5: {  	_ = 	snop  }
0x6: {  	_ = 	snop  }
0x7: {  	_ = 	snop  }
__scs_overlays_trampoline_lowered:
0x8: {  	[smem:$0x3FAD] =	sst s0  }
0x9: {  	[smem:$0x3FAE] =	sst s1  }
0xa: {  	[smem:$0x3FAF] =	sst s2  }
0xb: {  	[smem:$0x3FB0] =	sst s3  }
0xc: {  	[smem:$0x3FB1] =	sst s4  }
0xd: {  	[smem:$0x3FB2] =	sst s5  }
0xe: {  	[smem:$0x3FB3] =	sst s6  }
0xf: {  	[smem:$0x3FB4] =	sst s7  }
0x10: {  	[smem:$0x3FB5] =	sst s8  }
0x11: {  	[smem:$0x3FB6] =	sst s9;
	s0 =	simm.s32 @!p0 $0x0  }
0x12: {  	s1 =	sld [smem:$0x3F9C];
	s0 =	simm.s32 @p0 $0x1  }
0x13: {  	[smem:$0x3FB7] =	sst s0;
	s0 =	simm.s32 @!p1 $0x0  }
0x14: {  	s2 =	sld [smem:$0x3F9B];
	s0 =	simm.s32 @p1 $0x1  }
0x15: {  	[smem:$0x3FB8] =	sst s0;
	s0 =	simm.s32 @!p2 $0x0  }
0x16: {  	s3 =	sld [smem:$0x3FDB];
	s0 =	simm.s32 @p2 $0x1  }
0x17: {  	s4 =	simm.s32 $0x1BF5;
	[smem:$0x3FBA] =	sst s0  }
0x18: {  	s0 =	sld [smem:$0x3F9D];
	_ =	swait.ge [sflag:s4], $0x0  }
0x19: {  	s7 =	sld [smem:$0x3F9E]  }
0x1a: {  	s8 =	sadd.s32 $0xFFFFE003, lr  }
0x1b: {  	s9 =	sadd.s32 $0xFFFFFEF7, lr;
	s5 =	simm.s32 $0xFFFFFFFF;
	p2 =	slt.u32 s8, $0xFFFFF086  }
0x1c: {  	p1 =	slt.u32 s9, $0xF7A;
	s5 =	simm.s32 @!p2 $0x0  }
0x1d: {  	s5 =	simm.s32 @p1 $0x1;
	p0 =	seq.s32 s7, s2  }
0x1e: {  	s7 =	smul.u32 @!p0 $0xF7A, s2;
	p2 =	seq.s32 @!p0 s5, $0x0  }
0x1f: {  	s9 =	smul.u32 $0xF7A, s1;
	s8 =	simm.s32 @!p0 $0x1BF5;
	p2 =	por !p2, p0  }
0x20: {  	[sflag:s8] =	ssyncset.s32 @!p0 $0xFFFFF086;
	s6 =	sadd.s32 @!p0 s3, s7;
	s7 =	simm.s32 @!p0 $0x108  }
0x21: {  	s3 =	sadd.s32 s3, s9;
	s6 =	sadd.s32 @!p0 $0x88, s6;
	s7 =	simm.s32 @p2 $0x1082  }
0x22: {  	[simem:s7], [sflag:s8] =	dma.local @!p0 [hbm:s6], $0xF7A  }
0x23: {  	s9 =	sor.u32 $0xD0000000, s2;
	s6 =	simm.s32 $0x108;
	_ =	swait.ge @!p0 [sflag:s8], $0x0  }
0x24: {  	s3 =	sadd.s32 $0x88, s3;
	s6 =	simm.s32 @!p1 $0x1082;
	[sflag:s4] =	ssyncset.s32 $0xFFFFF086  }
0x25: {  	[simem:s6], [sflag:s4] =	dma.local [hbm:s3], $0xF7A  }
0x26: {  	[smem:$0x3F9E] =	sst s1;
	(tag) =	ssettag s2;
	_ =	strace s9  }
0x27: {  	s1 =	sld [smem:$0x3FAE]  }
0x28: {  	s2 =	sld [smem:$0x3FAF]  }
0x29: {  	s4 =	sld [smem:$0x3FB1]  }
0x2a: {  	p0 =	seq.s32 s5, $0x0;
	s5 =	sld [smem:$0x3FB2]  }
0x2b: {  	s6 =	sld [smem:$0x3FB3]  }
0x2c: {  	s7 =	sld [smem:$0x3FB4]  }
0x2d: {  	s3 =	simm.s32 $0x108;
	s8 =	sld [smem:$0x3FB5]  }
0x2e: {  	s3 =	simm.s32 @!p0 $0x1082;
	s9 =	sld [smem:$0x3FB6]  }
0x2f: {  	lr =	sadd.s32 s0, s3;
	s0 =	sld [smem:$0x3FAD]  }
0x30: {  	s3 =	sld [smem:$0x3FB0]  }
0x31: {  	[smem:$0x3FB9] =	sst s10  }
0x32: {  	s10 =	sld [smem:$0x3FB7];
	_ =	sdelay $0x3  }
0x33: {  	p0 =	seq.s32 s10, $0x1;
	s10 =	sld [smem:$0x3FB9];
	_ =	sdelay $0x3  }
0x34: {  	[smem:$0x3FB9] =	sst s10  }
0x35: {  	s10 =	sld [smem:$0x3FB8];
	_ =	sdelay $0x3  }
0x36: {  	p1 =	seq.s32 s10, $0x1;
	s10 =	sld [smem:$0x3FB9];
	_ =	sdelay $0x3  }
0x37: {  	[smem:$0x3FB9] =	sst s10  }
0x38: {  	s10 =	sld [smem:$0x3FBA]  }
0x39: {  	_ = 	snop;
	(pc) =	sbr.ind lr, $3  }
0x3a: {  	_ = 	snop  }
0x3b: {  	_ = 	snop  }
0x3c: {  	p2 =	seq.s32 s10, $0x1;
	s10 =	sld [smem:$0x3FB9]  }
0x3d: {  	_ =	shalt  }
0x3e: {  	_ =	shalt  }
0x3f: {  	_ =	shalt  }
0x40: {  	_ =	shalt  }
0x41: {  	_ =	shalt  }
0x42: {  	_ =	shalt  }
0x43: {  	_ =	shalt  }
0x44: {  	_ =	shalt  }
0x45: {  	_ =	shalt  }
0x46: {  	_ =	shalt  }
0x47: {  	_ =	shalt  }
0x48: {  	_ =	shalt  }
0x49: {  	_ =	shalt  }
0x4a: {  	_ =	shalt  }
0x4b: {  	_ =	shalt  }
0x4c: {  	_ =	shalt  }
0x4d: {  	_ =	shalt  }
0x4e: {  	_ =	shalt  }
0x4f: {  	_ =	shalt  }
0x50: {  	_ =	shalt  }
0x51: {  	_ =	shalt  }
0x52: {  	_ =	shalt  }
0x53: {  	_ =	shalt  }
0x54: {  	_ =	shalt  }
0x55: {  	_ =	shalt  }
0x56: {  	_ =	shalt  }
0x57: {  	_ =	shalt  }
0x58: {  	_ =	shalt  }
0x59: {  	_ =	shalt  }
0x5a: {  	_ =	shalt  }
0x5b: {  	_ =	shalt  }
0x5c: {  	_ =	shalt  }
0x5d: {  	_ =	shalt  }
0x5e: {  	_ =	shalt  }
0x5f: {  	_ =	shalt  }
0x60: {  	_ =	shalt  }
0x61: {  	_ =	shalt  }
0x62: {  	_ =	shalt  }
0x63: {  	_ =	shalt  }
0x64: {  	_ =	shalt  }
0x65: {  	_ =	shalt  }
0x66: {  	_ =	shalt  }
0x67: {  	_ =	shalt  }
0x68: {  	_ =	shalt  }
0x69: {  	_ =	shalt  }
0x6a: {  	_ =	shalt  }
0x6b: {  	_ =	shalt  }
0x6c: {  	_ =	shalt  }
0x6d: {  	_ =	shalt  }
0x6e: {  	_ =	shalt  }
0x6f: {  	_ =	shalt  }
0x70: {  	_ =	shalt  }
0x71: {  	_ =	shalt  }
0x72: {  	_ =	shalt  }
0x73: {  	_ =	shalt  }
0x74: {  	_ =	shalt  }
0x75: {  	_ =	shalt  }
0x76: {  	_ =	shalt  }
0x77: {  	_ =	shalt  }
0x78: {  	_ =	shalt  }
0x79: {  	_ =	shalt  }
0x7a: {  	_ =	shalt  }
0x7b: {  	_ =	shalt  }
0x7c: {  	_ =	shalt  }
0x7d: {  	_ =	shalt  }
0x7e: {  	_ =	shalt  }
0x7f: {  	_ =	shalt  }
0x80: {  	_ =	shalt  }
0x81: {  	_ =	shalt  }
0x82: {  	_ =	shalt  }
0x83: {  	_ =	shalt  }
0x84: {  	_ =	shalt  }
0x85: {  	_ =	shalt  }
0x86: {  	_ =	shalt  }
0x87: {  	_ =	shalt  }
.Lfunc_end0:
.L_simem_size_0:
called_computation.2_lowered:
.L_overlay_start_0:
0x88: {  	s0 =	sld [smem:$0x3FD9]  }
0x89: {  	s1 =	sld [smem:$0x3FFE];
	_ =	sdelay $0x3  }
0x8a: {  	s0 =	sadd.s32 s1, s0  }
0x8b: {  	[smem:$0x3FC5] =	sst s0  }
0x8c: {  	_ = 	snop  }
0x8d: {  	(tm) =	ssettm $0x1  }
0x8e: {  	s15 =	sld [smem:$0x3FFB];
	_ =	sdelay $0x3  }
0x8f: {  	_ =	strace s15  }
0x90: {  	s0 =	sld [smem:$0x3FFC];
	_ =	sdelay $0x3  }
0x91: {  	_ =	strace s0  }
0x92: {  	s0 =	sld [smem:$0x3FFD];
	_ =	sdelay $0x3  }
0x93: {  	_ =	strace s0  }
0x94: {  	_ =	strace $0x8FFFFFFF  }
0x95: {  	s16 =	sld [smem:$0x3FDB];
	_ =	sdelay $0x1  }
0x96: {  	s17 =	simm.s32 $_scs_section_size  }
0x97: {  	s2 =	simm.s32 $_size__tile_overlayer_lowered;
	s3 =	simm.s32 $_tile_overlayer_lowered  }
0x98: {  	s20 =	simm.s32 $0x1BFF;
	s19 =	sshll.u32 s3, $0x1;
	s0 =	sadd.s32 s17, s16  }
0x99: {  	s4 =	simm.s32 $0x0;
	s18 =	sshll.u32 s2, $0x1;
	s2 =	sadd.s32 s19, s0  }
0x9a: {  	[timem:s4], [sflag:s20] =	dma.local [hbm:s2], s18  }
0x9b: {  	_ =	swait.ge [sflag:s20], s18  }
0x9c: {  	s1 =	ssub.s32 $0x0, s18;
	[sflag:s20] =	ssyncset.done $0x0  }
0x9d: {  	[sflag:s20] =	ssyncadd.s32 s1;
	_ =	sdelay $0x1  }
0x9e: {  	s21 =	simm.s32 $0x1B8B  }
0x9f: {  	_ =	swait.ge [sflag:s21], $0x1  }
0xa0: {  	[sflag:s21] =	ssyncset.done $0x0  }
0xa1: {  	s23 =	simm.s32 $0x1B8E;
	s22 =	sld [smem:$0x3FFE];
	[sflag:s21] =	ssyncadd.s32 $0xFFFFFFFF  }
0xa2: {  	s24 =	simm.s32 $execute0_lowered;
	[smem:$0x3FD2] =	sst s23  }
0xa3: {  	s2 =	sshll.u32 s24, $0x1;
	_ =	strace $0x80000046;
	[dreg:$0x1] =	wrdreg $0xFFFFFFFF  }
0xa4: {  	s25 =	simm.s32 $_size_execute0_lowered;
	s0 =	sadd.s32 s0, s2;
	[dreg:$0x0] =	wrdreg $0x0  }
0xa5: {  	s2 =	sshll.u32 s25, $0x1;
	[dreg:$0x2] =	wrdreg s0  }
0xa6: {  	[dreg:$0x3] =	wrdreg s2  }
0xa7: {  	[dreg:$0x4] =	wrdreg $0xC0  }
0xa8: {  	_ =	task [dreg:s4], $0x5FFFF  }
0xa9: {  	[dreg:$0x1] =	wrdreg $0xFFFFFFFF  }
0xaa: {  	[dreg:$0x0] =	wrdreg $0x60  }
0xab: {  	[dreg:$0x2] =	wrdreg s22  }
0xac: {  	[dreg:$0x3] =	wrdreg $0xB  }
0xad: {  	_ =	task.clear_ibuf [dreg:s4], $0x4FFFF;
	_ =	strace $0x90000046  }
0xae: {  	s26 =	simm.s32 $0xB;
	_ =	strace $0x80000048  }
0xaf: {  	_ =	swait.ge [sflag:s26], $0x1  }
0xb0: {  	[sflag:s26] =	ssyncadd.s32 $0xFFFFFFFF  }
0xb1: {  	_ =	strace $0x90000048  }
0xb2: {  	_ =	sfence  }
0xb3: {  	s28 =	sld [smem:$0x0];
	_ =	sdelay $0x1  }
0xb4: {  	s29 =	srdreg.scid  }
0xb5: {  	s30 =	sshll.u32 s29, $0xD;
	s31 =	sshrl.u32 s29, $0x2  }
0xb6: {  	s1 =	sand.u32 $0x1, s29;
	s2 =	sand.u32 $0x4000, s30;
	s0 =	sadd.s32 s31, s28  }
0xb7: {  	s1 =	sor.u32 s2, s1;
	s0 =	sshll.u32 s0, $0x11  }
0xb8: {  	s0 =	sor.u32 s0, s1  }
0xb9: {  	s0 =	sadd.s32 $0x8F2B, s0  }
0xba: {  	[sflag:s0] =	ssyncadd.remote.s32 $0x1  }
0xbb: {  	_ =	sfence.sel $0xFFFF  }
0xbc: {  	[dreg:$0x0] =	wrdreg $0xFFFFFFFF;
	(pc) =	sbr.abs _section_cstart, $3  }
0xbd: {  	[dreg:$0x1] =	wrdreg $0xFFFFFFFF  }
0xbe: {  	_ =	task.clear_ibuf [dreg:s4], $0x2FFFF;
	_ =	strace $0x9FFFFFFF  }
0xbf: {  	(tm) =	ssettm $0x7FFFFFFF  }
tec
execute0_lowered:
.L_overlay_start_1:
0x0: {  	(tag) =	ssettag $0x1  }
0x1: {  	s0 =	stileid.u32  }
0x2: {  	s1 =	smin.u32 s0, $0x9  }
0x3: {  	s1 =	sadd.s32 s0, s1  }
0x4: {  	p0 =	slt.u32 s0, $0x9;
	s2 =	smul.u32 $0x50, s1;
	s1 =	simm.s32 $0xA0  }
0x5: {  	s1 =	simm.s32 @!p0 $0x50  }
0x6: {  	s1 =	sadd.s32 s1, s2  }
0x7: {  	s3 =	smin.u32 s1, $0x7D0  }
0x8: {  	s7 =	ssub.s32 s3, s2  }
0x9: {  	p0 =	sgt.s32 s7, $0x0  }
0xa: {  	s7 =	simm.s32 @!p0 $0x0  }
0xb: {  	s31 =	smul.u32 $0xCCCD, s7  }
0xc: {  	s4 =	rddreg [dreg:$0x0];
	s6 =	simm.s32 $0x1  }
0xd: {  	s10 =	simm.s32 $0x3;
	s13 =	simm.s32 $0x0;
	s8 =	sshrl.u32 s31, $0x16  }
0xe: {  	s12 =	simm.s32 $0x0;
	s5 =	sadd.s32 $0x7600, s4;
	s9 =	smul.u32 $0x50, s8  }
.Ltmp0:
0xf: {  	s11 =	smov.u32 s2;
	s1 =	rddreg [dreg:$0x1];
	(pc) =	sbr.rel .LBB2_1-.Ltmp0, $4  }
0x10: {  	_ =	strace $0x80000047;
	p0 =	sne.s32 s7, s9;
	s9 =	simm.s32 $0x1  }
0x11: {  	[sflag:s6] =	ssyncpa.u1 $0x0;
	s7 =	simm.s32 $0x2;
	s9 =	simm.s32 @!p0 $0x0  }
0x12: {  	[sflag:s7] =	ssyncpa.u1 $0x0;
	p0 =	por $0x0, $0x0;
	s8 =	sadd.s32 s8, s9  }
0x13: {  	vm0 =	vmmov $0xff;
	vm1 =	vcmask $0x3F20;
	s9 =	sadd.s32 $0x7A00, s4;
	[sflag:s10] =	ssyncpa.u1 $0x0;
	s10 =	sadd.s32 $0x1, s8  }
.LBB2_6:
0x14: {  	[hbm:s17] =	stream.linear.scatter [tilespmem:s14], [sflag:$0x3], $0x400, $0x38;
	[tilespmem:$0x50A0] =	vst v63  }
.LBB2_7:
0x15: {  	s13 =	sadd.s32 $0x50, s11  }
0x16: {  	s15 =	smov.u32 s2;
	p2 =	slt.s32 s13, s3  }
0x17: {  	s15 =	smov.u32 @p2 s13;
	p2 =	sne.s32 s12, s10  }
.Ltmp1:
0x18: {  	p1 =	slt.u32 s12, $0x2;
	(pc) =	sbr.rel @!p2 .LBB2_8-.Ltmp1, $4  }
0x19: {  	s14 =	simm.s32 @!p1 $0x3  }
0x1a: {  	s16 =	sadd.s32 $0x1, s12;
	_ =	swait.ge @!p1 [sflag:s14], $0x2800  }
0x1b: {  	p0 =	por !p0, !p0;
	s13 =	smov.u32 s11;
	[sflag:s14] =	ssyncset.done @!p1 $0x0  }
0x1c: {  	s12 =	smov.u32 s16;
	s11 =	smov.u32 s15;
	[sflag:s14] =	ssyncadd.s32 @!p1 $0xFFFFD800  }
.LBB2_1:
0x1d: {  	p1 =	sge.u32 s12, s8  }
0x1e: {  	s14 =	sxor.u32 @!p1 $0xFFFFFFFF, s12  }
0x1f: {  	s14 =	sand.u32 @!p1 $0x1, s14  }
0x20: {  	s14 =	smul.u32 @!p1 $0x140, s14  }
0x21: {  	s31 =	sadd.s32 $0xFFFFFFFF, s12;
	s15 =	sshrl.u32 @!p1 s11, $0x3  }
0x22: {  	s16 =	sand.u32 @!p1 $0x7, s11;
	s15 =	sadd.s32 @!p1 s5, s15;
	s14 =	sshrl.u32 @!p1 s14, $0x2  }
0x23: {  	[tilespmem:s14], [sflag:$0x2] =	stream.linear.gather @!p1 [hbm4b:s15+s16], $0x50, $0x38;
	[tilespmem:$0x50A0] =	vst v63  }
0x24: {  	p1 =	sge.u32 s31, s8  }
.Ltmp2:
0x25: {  	_ = 	snop;
	(pc) =	sbr.rel @p1 .LBB2_7-.Ltmp2, $1  }
0x26: {  	_ =	sdelay $0x3  }
0x27: {  	s14 =	simm.s32 $0x1  }
0x28: {  	s14 =	simm.s32 @!p0 $0x0  }
0x29: {  	s15 =	smul.u32 $0x140, s14  }
0x2a: {  	_ =	swait.ge [sflag:s7], $0x50  }
0x2b: {  	[sflag:s7] =	ssyncset.done $0x0;
	s16 =	sshrl.u32 s15, $0x2  }
0x2c: {  	[sflag:s7] =	ssyncadd.s32 $0xFFFFFFB0;
	s15 =	sadd.s32 $0x0, s16  }
0x2d: {  	v0 =	vld.msk [tilespmem:s15+$0x0 ss:$0x1], $0xffff;
	_ =	sdelay $0x4  }
0x2e: {  	vm2 =	vgt.s32 v0, $0x0  }
0x2f: {  	v0 =	vnsel vm2, $0x0, v0  }
0x30: {  	v0 =	vmin.u32 v0, $0x752  }
0x31: {  	v0 =	vshll.u32 v0, $0x4  }
0x32: {  	s14 =	smul.u32 $0xA000, s14;
	_ =	sdelay $0x1  }
0x33: {  	s14 =	sshrl.u32 s14, $0x2  }
0x34: {  	s14 =	sor.u32 $0xA0, s14  }
0x35: {  	[tilespmem:s14], [sflag:$0x1] =	stream.indirect_vreg.gather [hbm:s4], $0x80, v0, vm0, $0x38;
	[tilespmem:$0x50A0] =	vst v63  }
0x36: {  	s17 =	sadd.s32 $0x10, s16;
	s15 =	sadd.s32 $0x400, s14  }
0x37: {  	[tilespmem:s15], [sflag:$0x1] =	stream.indirect_vreg.gather [hbm:s4], $0x80, v0, vm1, $0x38;
	[tilespmem:$0x50A0] =	vst v63  }
0x38: {  	s18 =	simm.s32 $0x80;
	v0 =	vld.msk [tilespmem:s17+$0x0 ss:$0x1], $0xffff;
	s17 =	smov.u32 s14  }
.LBB2_3:
0x39: {  	p1 =	sne.s32 s18, $0x100;
	_ =	sdelay $0x4  }
0x3a: {  	vm2 =	vgt.s32 v0, $0x0  }
0x3b: {  	v0 =	vnsel vm2, $0x0, v0  }
0x3c: {  	v0 =	vmin.u32 v0, $0x752  }
0x3d: {  	v0 =	vshll.u32 v0, $0x4;
	_ =	sdelay $0x3  }
.Ltmp3:
0x3e: {  	s19 =	sshra.s32 s18, $0x2;
	s17 =	sadd.s32 $0x800, s17;
	(pc) =	sbr.rel @p1 .LBB2_3-.Ltmp3, $4  }
0x3f: {  	[tilespmem:s17], [sflag:$0x1] =	stream.indirect_vreg.gather [hbm:s4], $0x80, v0, vm0, $0x38;
	[tilespmem:$0x50A0] =	vst v63  }
0x40: {  	s19 =	sadd.s32 s19, s16;
	s20 =	sadd.s32 $0x400, s17  }
0x41: {  	[tilespmem:s20], [sflag:$0x1] =	stream.indirect_vreg.gather [hbm:s4], $0x80, v0, vm1, $0x38;
	[tilespmem:$0x50A0] =	vst v63  }
0x42: {  	s18 =	sadd.s32 $0x40, s18;
	v0 =	vld.msk [tilespmem:s19+$0x0 ss:$0x1], $0xffff  }
0x43: {  	_ =	sdelay $0x3  }
0x44: {  	vm2 =	vgt.s32 v0, $0x0  }
0x45: {  	v0 =	vnsel vm2, $0x0, v0  }
0x46: {  	v0 =	vmin.u32 v0, $0x752  }
0x47: {  	v0 =	vshll.u32 v0, $0x4;
	_ =	sdelay $0x3  }
0x48: {  	s16 =	sadd.s32 $0x800, s17  }
0x49: {  	[tilespmem:s16], [sflag:$0x1] =	stream.indirect_vreg.gather [hbm:s4], $0x80, v0, vm0, $0x38;
	[tilespmem:$0x50A0] =	vst v63  }
0x4a: {  	s16 =	sadd.s32 $0x400, s16  }
0x4b: {  	[tilespmem:s16], [sflag:$0x1] =	stream.indirect_vreg.gather [hbm:s4], $0x80, v0, vm1, $0x38;
	[tilespmem:$0x50A0] =	vst v63  }
0x4c: {  	s13 =	sshll.u32 s13, $0x4;
	_ =	swait.ge [sflag:s6], $0x2800  }
0x4d: {  	s13 =	sadd.s32 s13, s9;
	[sflag:s6] =	ssyncset.done $0x0  }
0x4e: {  	s17 =	sadd.s32 $0x0, s13;
	s16 =	simm.s32 $0x80;
	[sflag:s6] =	ssyncadd.s32 $0xFFFFD800  }
.LBB2_5:
0x4f: {  	[hbm:s17] =	stream.linear.scatter [tilespmem:s14], [sflag:$0x3], $0x400, $0x38;
	[tilespmem:$0x50A0] =	vst v63  }
0x50: {  	s17 =	smov.u32 s16;
	s14 =	smov.u32 s15;
	p1 =	sne.s32 s16, $0x480  }
.Ltmp4:
0x51: {  	s16 =	sadd.s32 $0x80, s16;
	(pc) =	sbr.rel @p1 .LBB2_5-.Ltmp4, $2  }
0x52: {  	_ =	sdelay $0x2  }
0x53: {  	s15 =	sadd.s32 $0x400, s15;
	s17 =	sadd.s32 s17, s13  }
.Ltmp5:
0x54: {  	_ = 	snop;
	(pc) =	sbr.rel .LBB2_6-.Ltmp5, $1  }
0x55: {  	_ =	sdelay $0x3  }
.LBB2_8:
0x56: {  	_ =	sfence.sel $0x180000  }
0x57: {  	s2 =	simm.s32 $0x2;
	[bflag:$0x0] =	sbarrier.arrive $0xFFFF  }
0x58: {  	s30 =	simm.s32 $0x3;
	[sflag:s2] =	ssyncpa.u1 $0x1  }
0x59: {  	s31 =	simm.s32 $0x1;
	[sflag:s30] =	ssyncpa.u1 $0x1  }
0x5a: {  	[sflag:s31] =	ssyncpa.u1 $0x1  }
0x5b: {  	p0 =	sne.s32 s0, $0x0;
	_ =	strace $0x90000047  }
0x5c: {  	s0 =	sadd.s32 @!p0 $0x100000, s1;
	[bflag:$0x2] =	sbarrier.arrive $0xFFFF  }
0x5d: {  	[sflag:s0] =	ssyncadd.tile.s32 @!p0 $0x1;
	_ =	shalt  }
.Lfunc_end2:
_tile_overlayer_lowered:
.L_overlay_start_2:
0x5e: {  	(tag) =	ssettag $0x2  }
0x5f: {  	s0 =	rddreg [dreg:$0x0];
	s2 =	stileid.u32  }
0x60: {  	s1 =	rddreg [dreg:$0x1];
	p0 =	sne.s32 s2, $0x0  }
0x61: {  	s3 =	rddreg [dreg:$0x2];
	[bflag:$0x3] =	sbarrier.arrive $0xFFFF;
	s2 =	simm.s32 @!p0 $0x1C01  }
0x62: {  	[timem:s3], [sflag:s2] =	dma.local @!p0 [hbm:s0], s1  }
0x63: {  	s0 =	simm.s32 @!p0 $0x1  }
0x64: {  	_ =	swait.ge @!p0 [sflag:s0], s1  }
0x65: {  	s1 =	ssub.s32 @!p0 $0x0, s1;
	[sflag:s0] =	ssyncset.done @!p0 $0x0  }
0x66: {  	[sflag:s0] =	ssyncadd.s32 @!p0 s1  }
0x67: {  	[bflag:$0x3] =	sbarrier.arrive $0xFFFF  }
0x68: {  	_ =	shalt  }

// kernel: gather_offload_async_start.3
scs
__scs_entry_jumppad:
0x0: {  	(pc) =	sbr.rel $0x88, $3  }
0x1: {  	(tag) =	ssettag $0x0;
	lr =	simm.s32 $0x1  }
0x2: {  	[smem:$0x3F9E] =	sst lr;
	_ =	strace $0xD0000000  }
0x3: {  	_ = 	snop  }
0x4: {  	_ = 	snop  }
0x5: {  	_ = 	snop  }
0x6: {  	_ = 	snop  }
0x7: {  	_ = 	snop  }
__scs_overlays_trampoline_lowered:
0x8: {  	[smem:$0x3FAD] =	sst s0  }
0x9: {  	[smem:$0x3FAE] =	sst s1  }
0xa: {  	[smem:$0x3FAF] =	sst s2  }
0xb: {  	[smem:$0x3FB0] =	sst s3  }
0xc: {  	[smem:$0x3FB1] =	sst s4  }
0xd: {  	[smem:$0x3FB2] =	sst s5  }
0xe: {  	[smem:$0x3FB3] =	sst s6  }
0xf: {  	[smem:$0x3FB4] =	sst s7  }
0x10: {  	[smem:$0x3FB5] =	sst s8  }
0x11: {  	[smem:$0x3FB6] =	sst s9;
	s0 =	simm.s32 @!p0 $0x0  }
0x12: {  	s1 =	sld [smem:$0x3F9C];
	s0 =	simm.s32 @p0 $0x1  }
0x13: {  	[smem:$0x3FB7] =	sst s0;
	s0 =	simm.s32 @!p1 $0x0  }
0x14: {  	s2 =	sld [smem:$0x3F9B];
	s0 =	simm.s32 @p1 $0x1  }
0x15: {  	[smem:$0x3FB8] =	sst s0;
	s0 =	simm.s32 @!p2 $0x0  }
0x16: {  	s3 =	sld [smem:$0x3FDB];
	s0 =	simm.s32 @p2 $0x1  }
0x17: {  	s4 =	simm.s32 $0x1BF5;
	[smem:$0x3FBA] =	sst s0  }
0x18: {  	s0 =	sld [smem:$0x3F9D];
	_ =	swait.ge [sflag:s4], $0x0  }
0x19: {  	s7 =	sld [smem:$0x3F9E]  }
0x1a: {  	s8 =	sadd.s32 $0xFFFFE003, lr  }
0x1b: {  	s9 =	sadd.s32 $0xFFFFFEF7, lr;
	s5 =	simm.s32 $0xFFFFFFFF;
	p2 =	slt.u32 s8, $0xFFFFF086  }
0x1c: {  	p1 =	slt.u32 s9, $0xF7A;
	s5 =	simm.s32 @!p2 $0x0  }
0x1d: {  	s5 =	simm.s32 @p1 $0x1;
	p0 =	seq.s32 s7, s2  }
0x1e: {  	s7 =	smul.u32 @!p0 $0xF7A, s2;
	p2 =	seq.s32 @!p0 s5, $0x0  }
0x1f: {  	s9 =	smul.u32 $0xF7A, s1;
	s8 =	simm.s32 @!p0 $0x1BF5;
	p2 =	por !p2, p0  }
0x20: {  	[sflag:s8] =	ssyncset.s32 @!p0 $0xFFFFF086;
	s6 =	sadd.s32 @!p0 s3, s7;
	s7 =	simm.s32 @!p0 $0x108  }
0x21: {  	s3 =	sadd.s32 s3, s9;
	s6 =	sadd.s32 @!p0 $0x88, s6;
	s7 =	simm.s32 @p2 $0x1082  }
0x22: {  	[simem:s7], [sflag:s8] =	dma.local @!p0 [hbm:s6], $0xF7A  }
0x23: {  	s9 =	sor.u32 $0xD0000000, s2;
	s6 =	simm.s32 $0x108;
	_ =	swait.ge @!p0 [sflag:s8], $0x0  }
0x24: {  	s3 =	sadd.s32 $0x88, s3;
	s6 =	simm.s32 @!p1 $0x1082;
	[sflag:s4] =	ssyncset.s32 $0xFFFFF086  }
0x25: {  	[simem:s6], [sflag:s4] =	dma.local [hbm:s3], $0xF7A  }
0x26: {  	[smem:$0x3F9E] =	sst s1;
	(tag) =	ssettag s2;
	_ =	strace s9  }
0x27: {  	s1 =	sld [smem:$0x3FAE]  }
0x28: {  	s2 =	sld [smem:$0x3FAF]  }
0x29: {  	s4 =	sld [smem:$0x3FB1]  }
0x2a: {  	p0 =	seq.s32 s5, $0x0;
	s5 =	sld [smem:$0x3FB2]  }
0x2b: {  	s6 =	sld [smem:$0x3FB3]  }
0x2c: {  	s7 =	sld [smem:$0x3FB4]  }
0x2d: {  	s3 =	simm.s32 $0x108;
	s8 =	sld [smem:$0x3FB5]  }
0x2e: {  	s3 =	simm.s32 @!p0 $0x1082;
	s9 =	sld [smem:$0x3FB6]  }
0x2f: {  	lr =	sadd.s32 s0, s3;
	s0 =	sld [smem:$0x3FAD]  }
0x30: {  	s3 =	sld [smem:$0x3FB0]  }
0x31: {  	[smem:$0x3FB9] =	sst s10  }
0x32: {  	s10 =	sld [smem:$0x3FB7];
	_ =	sdelay $0x3  }
0x33: {  	p0 =	seq.s32 s10, $0x1;
	s10 =	sld [smem:$0x3FB9];
	_ =	sdelay $0x3  }
0x34: {  	[smem:$0x3FB9] =	sst s10  }
0x35: {  	s10 =	sld [smem:$0x3FB8];
	_ =	sdelay $0x3  }
0x36: {  	p1 =	seq.s32 s10, $0x1;
	s10 =	sld [smem:$0x3FB9];
	_ =	sdelay $0x3  }
0x37: {  	[smem:$0x3FB9] =	sst s10  }
0x38: {  	s10 =	sld [smem:$0x3FBA]  }
0x39: {  	_ = 	snop;
	(pc) =	sbr.ind lr, $3  }
0x3a: {  	_ = 	snop  }
0x3b: {  	_ = 	snop  }
0x3c: {  	p2 =	seq.s32 s10, $0x1;
	s10 =	sld [smem:$0x3FB9]  }
0x3d: {  	_ =	shalt  }
0x3e: {  	_ =	shalt  }
0x3f: {  	_ =	shalt  }
0x40: {  	_ =	shalt  }
0x41: {  	_ =	shalt  }
0x42: {  	_ =	shalt  }
0x43: {  	_ =	shalt  }
0x44: {  	_ =	shalt  }
0x45: {  	_ =	shalt  }
0x46: {  	_ =	shalt  }
0x47: {  	_ =	shalt  }
0x48: {  	_ =	shalt  }
0x49: {  	_ =	shalt  }
0x4a: {  	_ =	shalt  }
0x4b: {  	_ =	shalt  }
0x4c: {  	_ =	shalt  }
0x4d: {  	_ =	shalt  }
0x4e: {  	_ =	shalt  }
0x4f: {  	_ =	shalt  }
0x50: {  	_ =	shalt  }
0x51: {  	_ =	shalt  }
0x52: {  	_ =	shalt  }
0x53: {  	_ =	shalt  }
0x54: {  	_ =	shalt  }
0x55: {  	_ =	shalt  }
0x56: {  	_ =	shalt  }
0x57: {  	_ =	shalt  }
0x58: {  	_ =	shalt  }
0x59: {  	_ =	shalt  }
0x5a: {  	_ =	shalt  }
0x5b: {  	_ =	shalt  }
0x5c: {  	_ =	shalt  }
0x5d: {  	_ =	shalt  }
0x5e: {  	_ =	shalt  }
0x5f: {  	_ =	shalt  }
0x60: {  	_ =	shalt  }
0x61: {  	_ =	shalt  }
0x62: {  	_ =	shalt  }
0x63: {  	_ =	shalt  }
0x64: {  	_ =	shalt  }
0x65: {  	_ =	shalt  }
0x66: {  	_ =	shalt  }
0x67: {  	_ =	shalt  }
0x68: {  	_ =	shalt  }
0x69: {  	_ =	shalt  }
0x6a: {  	_ =	shalt  }
0x6b: {  	_ =	shalt  }
0x6c: {  	_ =	shalt  }
0x6d: {  	_ =	shalt  }
0x6e: {  	_ =	shalt  }
0x6f: {  	_ =	shalt  }
0x70: {  	_ =	shalt  }
0x71: {  	_ =	shalt  }
0x72: {  	_ =	shalt  }
0x73: {  	_ =	shalt  }
0x74: {  	_ =	shalt  }
0x75: {  	_ =	shalt  }
0x76: {  	_ =	shalt  }
0x77: {  	_ =	shalt  }
0x78: {  	_ =	shalt  }
0x79: {  	_ =	shalt  }
0x7a: {  	_ =	shalt  }
0x7b: {  	_ =	shalt  }
0x7c: {  	_ =	shalt  }
0x7d: {  	_ =	shalt  }
0x7e: {  	_ =	shalt  }
0x7f: {  	_ =	shalt  }
0x80: {  	_ =	shalt  }
0x81: {  	_ =	shalt  }
0x82: {  	_ =	shalt  }
0x83: {  	_ =	shalt  }
0x84: {  	_ =	shalt  }
0x85: {  	_ =	shalt  }
0x86: {  	_ =	shalt  }
0x87: {  	_ =	shalt  }
.Lfunc_end0:
.L_simem_size_0:
called_computation.3_lowered:
.L_overlay_start_0:
0x88: {  	s0 =	sld [smem:$0x3FD9]  }
0x89: {  	s1 =	sld [smem:$0x3FFE];
	_ =	sdelay $0x3  }
0x8a: {  	s0 =	sadd.s32 s1, s0  }
0x8b: {  	[smem:$0x3FC5] =	sst s0  }
0x8c: {  	_ = 	snop  }
0x8d: {  	(tm) =	ssettm $0x1  }
0x8e: {  	s15 =	sld [smem:$0x3FFB];
	_ =	sdelay $0x3  }
0x8f: {  	_ =	strace s15  }
0x90: {  	s0 =	sld [smem:$0x3FFC];
	_ =	sdelay $0x3  }
0x91: {  	_ =	strace s0  }
0x92: {  	s0 =	sld [smem:$0x3FFD];
	_ =	sdelay $0x3  }
0x93: {  	_ =	strace s0  }
0x94: {  	_ =	strace $0x8FFFFFFF  }
0x95: {  	s16 =	sld [smem:$0x3FDB];
	_ =	sdelay $0x1  }
0x96: {  	s17 =	simm.s32 $_scs_section_size  }
0x97: {  	s2 =	simm.s32 $_size__tile_overlayer_lowered;
	s3 =	simm.s32 $_tile_overlayer_lowered  }
0x98: {  	s20 =	simm.s32 $0x1BFF;
	s19 =	sshll.u32 s3, $0x1;
	s0 =	sadd.s32 s17, s16  }
0x99: {  	s4 =	simm.s32 $0x0;
	s18 =	sshll.u32 s2, $0x1;
	s2 =	sadd.s32 s19, s0  }
0x9a: {  	[timem:s4], [sflag:s20] =	dma.local [hbm:s2], s18  }
0x9b: {  	_ =	swait.ge [sflag:s20], s18  }
0x9c: {  	s1 =	ssub.s32 $0x0, s18;
	[sflag:s20] =	ssyncset.done $0x0  }
0x9d: {  	[sflag:s20] =	ssyncadd.s32 s1;
	_ =	sdelay $0x1  }
0x9e: {  	s21 =	simm.s32 $0x1B8B  }
0x9f: {  	_ =	swait.ge [sflag:s21], $0x1  }
0xa0: {  	[sflag:s21] =	ssyncset.done $0x0  }
0xa1: {  	s23 =	simm.s32 $0x1B8E;
	s22 =	sld [smem:$0x3FFE];
	[sflag:s21] =	ssyncadd.s32 $0xFFFFFFFF  }
0xa2: {  	s24 =	simm.s32 $execute0_lowered;
	[smem:$0x3FD2] =	sst s23  }
0xa3: {  	s2 =	sshll.u32 s24, $0x1;
	_ =	strace $0x80000055;
	[dreg:$0x1] =	wrdreg $0xFFFFFFFF  }
0xa4: {  	s25 =	simm.s32 $_size_execute0_lowered;
	s0 =	sadd.s32 s0, s2;
	[dreg:$0x0] =	wrdreg $0x0  }
0xa5: {  	s2 =	sshll.u32 s25, $0x1;
	[dreg:$0x2] =	wrdreg s0  }
0xa6: {  	[dreg:$0x3] =	wrdreg s2  }
0xa7: {  	[dreg:$0x4] =	wrdreg $0xC0  }
0xa8: {  	_ =	task [dreg:s4], $0x5FFFF  }
0xa9: {  	[dreg:$0x1] =	wrdreg $0xFFFFFFFF  }
0xaa: {  	[dreg:$0x0] =	wrdreg $0x60  }
0xab: {  	[dreg:$0x2] =	wrdreg s22  }
0xac: {  	[dreg:$0x3] =	wrdreg $0x9  }
0xad: {  	_ =	task.clear_ibuf [dreg:s4], $0x4FFFF;
	_ =	strace $0x90000055  }
0xae: {  	s26 =	simm.s32 $0x9;
	_ =	strace $0x80000057  }
0xaf: {  	_ =	swait.ge [sflag:s26], $0x1  }
0xb0: {  	[sflag:s26] =	ssyncadd.s32 $0xFFFFFFFF  }
0xb1: {  	_ =	strace $0x90000057  }
0xb2: {  	_ =	sfence  }
0xb3: {  	s28 =	sld [smem:$0x0];
	_ =	sdelay $0x1  }
0xb4: {  	s29 =	srdreg.scid  }
0xb5: {  	s30 =	sshll.u32 s29, $0xD;
	s31 =	sshrl.u32 s29, $0x2  }
0xb6: {  	s1 =	sand.u32 $0x1, s29;
	s2 =	sand.u32 $0x4000, s30;
	s0 =	sadd.s32 s31, s28  }
0xb7: {  	s1 =	sor.u32 s2, s1;
	s0 =	sshll.u32 s0, $0x11  }
0xb8: {  	s0 =	sor.u32 s0, s1  }
0xb9: {  	s0 =	sadd.s32 $0x8F2B, s0  }
0xba: {  	[sflag:s0] =	ssyncadd.remote.s32 $0x1  }
0xbb: {  	_ =	sfence.sel $0xFFFF  }
0xbc: {  	[dreg:$0x0] =	wrdreg $0xFFFFFFFF;
	(pc) =	sbr.abs _section_cstart, $3  }
0xbd: {  	[dreg:$0x1] =	wrdreg $0xFFFFFFFF  }
0xbe: {  	_ =	task.clear_ibuf [dreg:s4], $0x2FFFF;
	_ =	strace $0x9FFFFFFF  }
0xbf: {  	(tm) =	ssettm $0x7FFFFFFF  }
tec
execute0_lowered:
.L_overlay_start_1:
0x0: {  	(tag) =	ssettag $0x1  }
0x1: {  	s0 =	stileid.u32  }
0x2: {  	s1 =	smin.u32 s0, $0x9  }
0x3: {  	s1 =	sadd.s32 s0, s1  }
0x4: {  	p0 =	slt.u32 s0, $0x9;
	s2 =	smul.u32 $0x50, s1;
	s1 =	simm.s32 $0xA0  }
0x5: {  	s1 =	simm.s32 @!p0 $0x50  }
0x6: {  	s1 =	sadd.s32 s1, s2  }
0x7: {  	s3 =	smin.u32 s1, $0x7D0  }
0x8: {  	s7 =	ssub.s32 s3, s2  }
0x9: {  	p0 =	sgt.s32 s7, $0x0  }
0xa: {  	s7 =	simm.s32 @!p0 $0x0  }
0xb: {  	s31 =	smul.u32 $0xCCCD, s7  }
0xc: {  	s9 =	rddreg [dreg:$0x0];
	s6 =	simm.s32 $0x1;
	s11 =	simm.s32 $0x3  }
0xd: {  	s13 =	simm.s32 $0x0;
	s12 =	simm.s32 $0x0;
	s8 =	sshrl.u32 s31, $0x16  }
0xe: {  	s4 =	sadd.s32 $0xFBA00, s9;
	s5 =	sadd.s32 $0xB2200, s9;
	s10 =	smul.u32 $0x50, s8  }
.Ltmp0:
0xf: {  	s9 =	sadd.s32 $0xFC00, s9;
	s1 =	rddreg [dreg:$0x1];
	(pc) =	sbr.rel .LBB2_1-.Ltmp0, $4  }
0x10: {  	_ =	strace $0x80000056;
	p0 =	sne.s32 s7, s10;
	s10 =	simm.s32 $0x1  }
0x11: {  	[sflag:s6] =	ssyncpa.u1 $0x0;
	s7 =	simm.s32 $0x2;
	s10 =	simm.s32 @!p0 $0x0  }
0x12: {  	[sflag:s7] =	ssyncpa.u1 $0x0;
	p0 =	por $0x0, $0x0;
	s8 =	sadd.s32 s8, s10  }
0x13: {  	v0 =	vimm.s32 $0x0;
	vm0 =	vmmov $0xff;
	vm1 =	vcmask $0x3F20;
	[sflag:s11] =	ssyncpa.u1 $0x0;
	s11 =	smov.u32 s2;
	s10 =	sadd.s32 $0x1, s8  }
.LBB2_6:
0x14: {  	[hbm:s17] =	stream.linear.scatter [tilespmem:s14], [sflag:$0x3], $0x400, $0x38;
	[tilespmem:$0x50A0] =	vst v63  }
.LBB2_7:
0x15: {  	s13 =	sadd.s32 $0x50, s11  }
0x16: {  	s15 =	smov.u32 s2;
	p2 =	slt.s32 s13, s3  }
0x17: {  	s15 =	smov.u32 @p2 s13;
	p2 =	sne.s32 s12, s10  }
.Ltmp1:
0x18: {  	p1 =	slt.u32 s12, $0x2;
	(pc) =	sbr.rel @!p2 .LBB2_8-.Ltmp1, $4  }
0x19: {  	s14 =	simm.s32 @!p1 $0x3  }
0x1a: {  	s16 =	sadd.s32 $0x1, s12;
	_ =	swait.ge @!p1 [sflag:s14], $0x2800  }
0x1b: {  	p0 =	por !p0, !p0;
	s13 =	smov.u32 s11;
	[sflag:s14] =	ssyncset.done @!p1 $0x0  }
0x1c: {  	s12 =	smov.u32 s16;
	s11 =	smov.u32 s15;
	[sflag:s14] =	ssyncadd.s32 @!p1 $0xFFFFD800  }
.LBB2_1:
0x1d: {  	p1 =	sge.u32 s12, s8  }
0x1e: {  	s14 =	sxor.u32 @!p1 $0xFFFFFFFF, s12  }
0x1f: {  	s14 =	sand.u32 @!p1 $0x1, s14  }
0x20: {  	s14 =	smul.u32 @!p1 $0x140, s14  }
0x21: {  	s31 =	sadd.s32 $0xFFFFFFFF, s12;
	s15 =	sshrl.u32 @!p1 s11, $0x3  }
0x22: {  	s16 =	sand.u32 @!p1 $0x7, s11;
	s15 =	sadd.s32 @!p1 s5, s15;
	s14 =	sshrl.u32 @!p1 s14, $0x2  }
0x23: {  	[tilespmem:s14], [sflag:$0x2] =	stream.linear.gather @!p1 [hbm4b:s15+s16], $0x50, $0x38;
	[tilespmem:$0x50A0] =	vst v63  }
0x24: {  	p1 =	sge.u32 s31, s8  }
.Ltmp2:
0x25: {  	_ = 	snop;
	(pc) =	sbr.rel @p1 .LBB2_7-.Ltmp2, $1  }
0x26: {  	_ =	sdelay $0x3  }
0x27: {  	s14 =	simm.s32 $0x1  }
0x28: {  	s14 =	simm.s32 @!p0 $0x0  }
0x29: {  	s15 =	smul.u32 $0x140, s14  }
0x2a: {  	_ =	swait.ge [sflag:s7], $0x50  }
0x2b: {  	[sflag:s7] =	ssyncset.done $0x0;
	s16 =	sshrl.u32 s15, $0x2  }
0x2c: {  	[sflag:s7] =	ssyncadd.s32 $0xFFFFFFB0;
	s15 =	sadd.s32 $0x0, s16  }
0x2d: {  	v1 =	vld.msk [tilespmem:s15+$0x0 ss:$0x1], $0xffff;
	_ =	sdelay $0x4  }
0x2e: {  	v2 =	vand.u32 $0x1, v1;
	v3 =	vshll.u32 v1, $0x6  }
0x2f: {  	vm2 =	veq.s32 v1, $0x80000000;
	vm3 =	veq.s32 v2, $0x1;
	v1 =	vand.u32 $0x3FFF80, v3  }
0x30: {  	v2 =	vsel vm3, $0x3A9800, v0;
	v1 =	vsel vm2, $0xFFFFFF80, v1  }
0x31: {  	v2 =	vsel vm2, $0xFFC56800, v2;
	v3 =	vand.u32 $0xFFFFFC00, v1  }
0x32: {  	v1 =	vand.u32 $0x380, v1;
	v2 =	vadd.s32 v2, v3  }
0x33: {  	v1 =	vor.u32 v1, v2  }
0x34: {  	v1 =	vshrl.u32 v1, $0x3  }
0x35: {  	s14 =	smul.u32 $0xA000, s14;
	_ =	sdelay $0x1  }
0x36: {  	s14 =	sshrl.u32 s14, $0x2  }
0x37: {  	s14 =	sor.u32 $0xA0, s14  }
0x38: {  	[tilespmem:s14], [sflag:$0x1] =	stream.indirect_vreg.gather [hbm:s4], $0x80, v1, vm0, $0x38;
	[tilespmem:$0x50A0] =	vst v63  }
0x39: {  	s17 =	sadd.s32 $0x10, s16;
	s15 =	sadd.s32 $0x400, s14  }
0x3a: {  	[tilespmem:s15], [sflag:$0x1] =	stream.indirect_vreg.gather [hbm:s4], $0x80, v1, vm1, $0x38;
	[tilespmem:$0x50A0] =	vst v63  }
0x3b: {  	s18 =	simm.s32 $0x80;
	v1 =	vld.msk [tilespmem:s17+$0x0 ss:$0x1], $0xffff;
	s17 =	smov.u32 s14  }
.LBB2_3:
0x3c: {  	p1 =	sne.s32 s18, $0x100;
	_ =	sdelay $0x4  }
0x3d: {  	v2 =	vand.u32 $0x1, v1;
	v3 =	vshll.u32 v1, $0x6  }
0x3e: {  	vm2 =	veq.s32 v1, $0x80000000;
	vm3 =	veq.s32 v2, $0x1;
	v1 =	vand.u32 $0x3FFF80, v3  }
0x3f: {  	v2 =	vsel vm3, $0x3A9800, v0;
	v1 =	vsel vm2, $0xFFFFFF80, v1  }
0x40: {  	v2 =	vsel vm2, $0xFFC56800, v2;
	v3 =	vand.u32 $0xFFFFFC00, v1  }
0x41: {  	v1 =	vand.u32 $0x380, v1;
	v2 =	vadd.s32 v2, v3  }
0x42: {  	v1 =	vor.u32 v1, v2  }
0x43: {  	v1 =	vshrl.u32 v1, $0x3;
	_ =	sdelay $0x3  }
.Ltmp3:
0x44: {  	s19 =	sshra.s32 s18, $0x2;
	s17 =	sadd.s32 $0x800, s17;
	(pc) =	sbr.rel @p1 .LBB2_3-.Ltmp3, $4  }
0x45: {  	[tilespmem:s17], [sflag:$0x1] =	stream.indirect_vreg.gather [hbm:s4], $0x80, v1, vm0, $0x38;
	[tilespmem:$0x50A0] =	vst v63  }
0x46: {  	s19 =	sadd.s32 s19, s16;
	s20 =	sadd.s32 $0x400, s17  }
0x47: {  	[tilespmem:s20], [sflag:$0x1] =	stream.indirect_vreg.gather [hbm:s4], $0x80, v1, vm1, $0x38;
	[tilespmem:$0x50A0] =	vst v63  }
0x48: {  	s18 =	sadd.s32 $0x40, s18;
	v1 =	vld.msk [tilespmem:s19+$0x0 ss:$0x1], $0xffff  }
0x49: {  	_ =	sdelay $0x3  }
0x4a: {  	v2 =	vand.u32 $0x1, v1;
	v3 =	vshll.u32 v1, $0x6  }
0x4b: {  	vm2 =	veq.s32 v1, $0x80000000;
	vm3 =	veq.s32 v2, $0x1;
	v1 =	vand.u32 $0x3FFF80, v3  }
0x4c: {  	v2 =	vsel vm3, $0x3A9800, v0;
	v1 =	vsel vm2, $0xFFFFFF80, v1  }
0x4d: {  	v2 =	vsel vm2, $0xFFC56800, v2;
	v3 =	vand.u32 $0xFFFFFC00, v1  }
0x4e: {  	v1 =	vand.u32 $0x380, v1;
	v2 =	vadd.s32 v2, v3  }
0x4f: {  	v1 =	vor.u32 v1, v2  }
0x50: {  	v1 =	vshrl.u32 v1, $0x3;
	_ =	sdelay $0x3  }
0x51: {  	s16 =	sadd.s32 $0x800, s17  }
0x52: {  	[tilespmem:s16], [sflag:$0x1] =	stream.indirect_vreg.gather [hbm:s4], $0x80, v1, vm0, $0x38;
	[tilespmem:$0x50A0] =	vst v63  }
0x53: {  	s16 =	sadd.s32 $0x400, s16  }
0x54: {  	[tilespmem:s16], [sflag:$0x1] =	stream.indirect_vreg.gather [hbm:s4], $0x80, v1, vm1, $0x38;
	[tilespmem:$0x50A0] =	vst v63  }
0x55: {  	s13 =	sshll.u32 s13, $0x4;
	_ =	swait.ge [sflag:s6], $0x2800  }
0x56: {  	s13 =	sadd.s32 s13, s9;
	[sflag:s6] =	ssyncset.done $0x0  }
0x57: {  	s17 =	sadd.s32 $0x0, s13;
	s16 =	simm.s32 $0x80;
	[sflag:s6] =	ssyncadd.s32 $0xFFFFD800  }
.LBB2_5:
0x58: {  	[hbm:s17] =	stream.linear.scatter [tilespmem:s14], [sflag:$0x3], $0x400, $0x38;
	[tilespmem:$0x50A0] =	vst v63  }
0x59: {  	s17 =	smov.u32 s16;
	s14 =	smov.u32 s15;
	p1 =	sne.s32 s16, $0x480  }
.Ltmp4:
0x5a: {  	s16 =	sadd.s32 $0x80, s16;
	(pc) =	sbr.rel @p1 .LBB2_5-.Ltmp4, $2  }
0x5b: {  	_ =	sdelay $0x2  }
0x5c: {  	s15 =	sadd.s32 $0x400, s15;
	s17 =	sadd.s32 s17, s13  }
.Ltmp5:
0x5d: {  	_ = 	snop;
	(pc) =	sbr.rel .LBB2_6-.Ltmp5, $1  }
0x5e: {  	_ =	sdelay $0x3  }
.LBB2_8:
0x5f: {  	_ =	sfence.sel $0x180000  }
0x60: {  	s2 =	simm.s32 $0x2;
	[bflag:$0x0] =	sbarrier.arrive $0xFFFF  }
0x61: {  	s30 =	simm.s32 $0x3;
	[sflag:s2] =	ssyncpa.u1 $0x1  }
0x62: {  	s31 =	simm.s32 $0x1;
	[sflag:s30] =	ssyncpa.u1 $0x1  }
0x63: {  	[sflag:s31] =	ssyncpa.u1 $0x1  }
0x64: {  	p0 =	sne.s32 s0, $0x0;
	_ =	strace $0x90000056  }
0x65: {  	s0 =	sadd.s32 @!p0 $0x100000, s1;
	[bflag:$0x2] =	sbarrier.arrive $0xFFFF  }
0x66: {  	[sflag:s0] =	ssyncadd.tile.s32 @!p0 $0x1;
	_ =	shalt  }
.Lfunc_end2:
_tile_overlayer_lowered:
.L_overlay_start_2:
0x67: {  	(tag) =	ssettag $0x2  }
0x68: {  	s0 =	rddreg [dreg:$0x0];
	s2 =	stileid.u32  }
0x69: {  	s1 =	rddreg [dreg:$0x1];
	p0 =	sne.s32 s2, $0x0  }
0x6a: {  	s3 =	rddreg [dreg:$0x2];
	[bflag:$0x3] =	sbarrier.arrive $0xFFFF;
	s2 =	simm.s32 @!p0 $0x1C01  }
0x6b: {  	[timem:s3], [sflag:s2] =	dma.local @!p0 [hbm:s0], s1  }
0x6c: {  	s0 =	simm.s32 @!p0 $0x1  }
0x6d: {  	_ =	swait.ge @!p0 [sflag:s0], s1  }
0x6e: {  	s1 =	ssub.s32 @!p0 $0x0, s1;
	[sflag:s0] =	ssyncset.done @!p0 $0x0  }
0x6f: {  	[sflag:s0] =	ssyncadd.s32 @!p0 s1  }
0x70: {  	[bflag:$0x3] =	sbarrier.arrive $0xFFFF  }
0x71: {  	_ =	shalt  }

// kernel: gather_offload_async_start.4
scs
__scs_entry_jumppad:
0x0: {  	(pc) =	sbr.rel $0x88, $3  }
0x1: {  	(tag) =	ssettag $0x0;
	lr =	simm.s32 $0x1  }
0x2: {  	[smem:$0x3F9E] =	sst lr;
	_ =	strace $0xD0000000  }
0x3: {  	_ = 	snop  }
0x4: {  	_ = 	snop  }
0x5: {  	_ = 	snop  }
0x6: {  	_ = 	snop  }
0x7: {  	_ = 	snop  }
__scs_overlays_trampoline_lowered:
0x8: {  	[smem:$0x3FAD] =	sst s0  }
0x9: {  	[smem:$0x3FAE] =	sst s1  }
0xa: {  	[smem:$0x3FAF] =	sst s2  }
0xb: {  	[smem:$0x3FB0] =	sst s3  }
0xc: {  	[smem:$0x3FB1] =	sst s4  }
0xd: {  	[smem:$0x3FB2] =	sst s5  }
0xe: {  	[smem:$0x3FB3] =	sst s6  }
0xf: {  	[smem:$0x3FB4] =	sst s7  }
0x10: {  	[smem:$0x3FB5] =	sst s8  }
0x11: {  	[smem:$0x3FB6] =	sst s9;
	s0 =	simm.s32 @!p0 $0x0  }
0x12: {  	s1 =	sld [smem:$0x3F9C];
	s0 =	simm.s32 @p0 $0x1  }
0x13: {  	[smem:$0x3FB7] =	sst s0;
	s0 =	simm.s32 @!p1 $0x0  }
0x14: {  	s2 =	sld [smem:$0x3F9B];
	s0 =	simm.s32 @p1 $0x1  }
0x15: {  	[smem:$0x3FB8] =	sst s0;
	s0 =	simm.s32 @!p2 $0x0  }
0x16: {  	s3 =	sld [smem:$0x3FDB];
	s0 =	simm.s32 @p2 $0x1  }
0x17: {  	s4 =	simm.s32 $0x1BF5;
	[smem:$0x3FBA] =	sst s0  }
0x18: {  	s0 =	sld [smem:$0x3F9D];
	_ =	swait.ge [sflag:s4], $0x0  }
0x19: {  	s7 =	sld [smem:$0x3F9E]  }
0x1a: {  	s8 =	sadd.s32 $0xFFFFE003, lr  }
0x1b: {  	s9 =	sadd.s32 $0xFFFFFEF7, lr;
	s5 =	simm.s32 $0xFFFFFFFF;
	p2 =	slt.u32 s8, $0xFFFFF086  }
0x1c: {  	p1 =	slt.u32 s9, $0xF7A;
	s5 =	simm.s32 @!p2 $0x0  }
0x1d: {  	s5 =	simm.s32 @p1 $0x1;
	p0 =	seq.s32 s7, s2  }
0x1e: {  	s7 =	smul.u32 @!p0 $0xF7A, s2;
	p2 =	seq.s32 @!p0 s5, $0x0  }
0x1f: {  	s9 =	smul.u32 $0xF7A, s1;
	s8 =	simm.s32 @!p0 $0x1BF5;
	p2 =	por !p2, p0  }
0x20: {  	[sflag:s8] =	ssyncset.s32 @!p0 $0xFFFFF086;
	s6 =	sadd.s32 @!p0 s3, s7;
	s7 =	simm.s32 @!p0 $0x108  }
0x21: {  	s3 =	sadd.s32 s3, s9;
	s6 =	sadd.s32 @!p0 $0x88, s6;
	s7 =	simm.s32 @p2 $0x1082  }
0x22: {  	[simem:s7], [sflag:s8] =	dma.local @!p0 [hbm:s6], $0xF7A  }
0x23: {  	s9 =	sor.u32 $0xD0000000, s2;
	s6 =	simm.s32 $0x108;
	_ =	swait.ge @!p0 [sflag:s8], $0x0  }
0x24: {  	s3 =	sadd.s32 $0x88, s3;
	s6 =	simm.s32 @!p1 $0x1082;
	[sflag:s4] =	ssyncset.s32 $0xFFFFF086  }
0x25: {  	[simem:s6], [sflag:s4] =	dma.local [hbm:s3], $0xF7A  }
0x26: {  	[smem:$0x3F9E] =	sst s1;
	(tag) =	ssettag s2;
	_ =	strace s9  }
0x27: {  	s1 =	sld [smem:$0x3FAE]  }
0x28: {  	s2 =	sld [smem:$0x3FAF]  }
0x29: {  	s4 =	sld [smem:$0x3FB1]  }
0x2a: {  	p0 =	seq.s32 s5, $0x0;
	s5 =	sld [smem:$0x3FB2]  }
0x2b: {  	s6 =	sld [smem:$0x3FB3]  }
0x2c: {  	s7 =	sld [smem:$0x3FB4]  }
0x2d: {  	s3 =	simm.s32 $0x108;
	s8 =	sld [smem:$0x3FB5]  }
0x2e: {  	s3 =	simm.s32 @!p0 $0x1082;
	s9 =	sld [smem:$0x3FB6]  }
0x2f: {  	lr =	sadd.s32 s0, s3;
	s0 =	sld [smem:$0x3FAD]  }
0x30: {  	s3 =	sld [smem:$0x3FB0]  }
0x31: {  	[smem:$0x3FB9] =	sst s10  }
0x32: {  	s10 =	sld [smem:$0x3FB7];
	_ =	sdelay $0x3  }
0x33: {  	p0 =	seq.s32 s10, $0x1;
	s10 =	sld [smem:$0x3FB9];
	_ =	sdelay $0x3  }
0x34: {  	[smem:$0x3FB9] =	sst s10  }
0x35: {  	s10 =	sld [smem:$0x3FB8];
	_ =	sdelay $0x3  }
0x36: {  	p1 =	seq.s32 s10, $0x1;
	s10 =	sld [smem:$0x3FB9];
	_ =	sdelay $0x3  }
0x37: {  	[smem:$0x3FB9] =	sst s10  }
0x38: {  	s10 =	sld [smem:$0x3FBA]  }
0x39: {  	_ = 	snop;
	(pc) =	sbr.ind lr, $3  }
0x3a: {  	_ = 	snop  }
0x3b: {  	_ = 	snop  }
0x3c: {  	p2 =	seq.s32 s10, $0x1;
	s10 =	sld [smem:$0x3FB9]  }
0x3d: {  	_ =	shalt  }
0x3e: {  	_ =	shalt  }
0x3f: {  	_ =	shalt  }
0x40: {  	_ =	shalt  }
0x41: {  	_ =	shalt  }
0x42: {  	_ =	shalt  }
0x43: {  	_ =	shalt  }
0x44: {  	_ =	shalt  }
0x45: {  	_ =	shalt  }
0x46: {  	_ =	shalt  }
0x47: {  	_ =	shalt  }
0x48: {  	_ =	shalt  }
0x49: {  	_ =	shalt  }
0x4a: {  	_ =	shalt  }
0x4b: {  	_ =	shalt  }
0x4c: {  	_ =	shalt  }
0x4d: {  	_ =	shalt  }
0x4e: {  	_ =	shalt  }
0x4f: {  	_ =	shalt  }
0x50: {  	_ =	shalt  }
0x51: {  	_ =	shalt  }
0x52: {  	_ =	shalt  }
0x53: {  	_ =	shalt  }
0x54: {  	_ =	shalt  }
0x55: {  	_ =	shalt  }
0x56: {  	_ =	shalt  }
0x57: {  	_ =	shalt  }
0x58: {  	_ =	shalt  }
0x59: {  	_ =	shalt  }
0x5a: {  	_ =	shalt  }
0x5b: {  	_ =	shalt  }
0x5c: {  	_ =	shalt  }
0x5d: {  	_ =	shalt  }
0x5e: {  	_ =	shalt  }
0x5f: {  	_ =	shalt  }
0x60: {  	_ =	shalt  }
0x61: {  	_ =	shalt  }
0x62: {  	_ =	shalt  }
0x63: {  	_ =	shalt  }
0x64: {  	_ =	shalt  }
0x65: {  	_ =	shalt  }
0x66: {  	_ =	shalt  }
0x67: {  	_ =	shalt  }
0x68: {  	_ =	shalt  }
0x69: {  	_ =	shalt  }
0x6a: {  	_ =	shalt  }
0x6b: {  	_ =	shalt  }
0x6c: {  	_ =	shalt  }
0x6d: {  	_ =	shalt  }
0x6e: {  	_ =	shalt  }
0x6f: {  	_ =	shalt  }
0x70: {  	_ =	shalt  }
0x71: {  	_ =	shalt  }
0x72: {  	_ =	shalt  }
0x73: {  	_ =	shalt  }
0x74: {  	_ =	shalt  }
0x75: {  	_ =	shalt  }
0x76: {  	_ =	shalt  }
0x77: {  	_ =	shalt  }
0x78: {  	_ =	shalt  }
0x79: {  	_ =	shalt  }
0x7a: {  	_ =	shalt  }
0x7b: {  	_ =	shalt  }
0x7c: {  	_ =	shalt  }
0x7d: {  	_ =	shalt  }
0x7e: {  	_ =	shalt  }
0x7f: {  	_ =	shalt  }
0x80: {  	_ =	shalt  }
0x81: {  	_ =	shalt  }
0x82: {  	_ =	shalt  }
0x83: {  	_ =	shalt  }
0x84: {  	_ =	shalt  }
0x85: {  	_ =	shalt  }
0x86: {  	_ =	shalt  }
0x87: {  	_ =	shalt  }
.Lfunc_end0:
.L_simem_size_0:
called_computation.4_lowered:
.L_overlay_start_0:
0x88: {  	s0 =	sld [smem:$0x3FD9]  }
0x89: {  	s1 =	sld [smem:$0x3FFE];
	_ =	sdelay $0x3  }
0x8a: {  	s0 =	sadd.s32 s1, s0  }
0x8b: {  	[smem:$0x3FC5] =	sst s0  }
0x8c: {  	_ = 	snop  }
0x8d: {  	(tm) =	ssettm $0x1  }
0x8e: {  	s15 =	sld [smem:$0x3FFB];
	_ =	sdelay $0x3  }
0x8f: {  	_ =	strace s15  }
0x90: {  	s0 =	sld [smem:$0x3FFC];
	_ =	sdelay $0x3  }
0x91: {  	_ =	strace s0  }
0x92: {  	s0 =	sld [smem:$0x3FFD];
	_ =	sdelay $0x3  }
0x93: {  	_ =	strace s0  }
0x94: {  	_ =	strace $0x8FFFFFFF  }
0x95: {  	s16 =	sld [smem:$0x3FDB];
	_ =	sdelay $0x1  }
0x96: {  	s17 =	simm.s32 $_scs_section_size  }
0x97: {  	s2 =	simm.s32 $_size__tile_overlayer_lowered;
	s3 =	simm.s32 $_tile_overlayer_lowered  }
0x98: {  	s20 =	simm.s32 $0x1BFF;
	s19 =	sshll.u32 s3, $0x1;
	s0 =	sadd.s32 s17, s16  }
0x99: {  	s4 =	simm.s32 $0x0;
	s18 =	sshll.u32 s2, $0x1;
	s2 =	sadd.s32 s19, s0  }
0x9a: {  	[timem:s4], [sflag:s20] =	dma.local [hbm:s2], s18  }
0x9b: {  	_ =	swait.ge [sflag:s20], s18  }
0x9c: {  	s1 =	ssub.s32 $0x0, s18;
	[sflag:s20] =	ssyncset.done $0x0  }
0x9d: {  	[sflag:s20] =	ssyncadd.s32 s1;
	_ =	sdelay $0x1  }
0x9e: {  	s21 =	simm.s32 $0x1B8B  }
0x9f: {  	_ =	swait.ge [sflag:s21], $0x1  }
0xa0: {  	[sflag:s21] =	ssyncset.done $0x0  }
0xa1: {  	s23 =	simm.s32 $0x1B8E;
	s22 =	sld [smem:$0x3FFE];
	[sflag:s21] =	ssyncadd.s32 $0xFFFFFFFF  }
0xa2: {  	s24 =	simm.s32 $execute0_lowered;
	[smem:$0x3FD2] =	sst s23  }
0xa3: {  	s2 =	sshll.u32 s24, $0x1;
	_ =	strace $0x80000052;
	[dreg:$0x1] =	wrdreg $0xFFFFFFFF  }
0xa4: {  	s25 =	simm.s32 $_size_execute0_lowered;
	s0 =	sadd.s32 s0, s2;
	[dreg:$0x0] =	wrdreg $0x0  }
0xa5: {  	s2 =	sshll.u32 s25, $0x1;
	[dreg:$0x2] =	wrdreg s0  }
0xa6: {  	[dreg:$0x3] =	wrdreg s2  }
0xa7: {  	[dreg:$0x4] =	wrdreg $0xC0  }
0xa8: {  	_ =	task [dreg:s4], $0x5FFFF  }
0xa9: {  	[dreg:$0x1] =	wrdreg $0xFFFFFFFF  }
0xaa: {  	[dreg:$0x0] =	wrdreg $0x60  }
0xab: {  	[dreg:$0x2] =	wrdreg s22  }
0xac: {  	[dreg:$0x3] =	wrdreg $0xA  }
0xad: {  	_ =	task.clear_ibuf [dreg:s4], $0x4FFFF;
	_ =	strace $0x90000052  }
0xae: {  	s26 =	simm.s32 $0xA;
	_ =	strace $0x80000054  }
0xaf: {  	_ =	swait.ge [sflag:s26], $0x1  }
0xb0: {  	[sflag:s26] =	ssyncadd.s32 $0xFFFFFFFF  }
0xb1: {  	_ =	strace $0x90000054  }
0xb2: {  	_ =	sfence  }
0xb3: {  	s28 =	sld [smem:$0x0];
	_ =	sdelay $0x1  }
0xb4: {  	s29 =	srdreg.scid  }
0xb5: {  	s30 =	sshll.u32 s29, $0xD;
	s31 =	sshrl.u32 s29, $0x2  }
0xb6: {  	s1 =	sand.u32 $0x1, s29;
	s2 =	sand.u32 $0x4000, s30;
	s0 =	sadd.s32 s31, s28  }
0xb7: {  	s1 =	sor.u32 s2, s1;
	s0 =	sshll.u32 s0, $0x11  }
0xb8: {  	s0 =	sor.u32 s0, s1  }
0xb9: {  	s0 =	sadd.s32 $0x8F2B, s0  }
0xba: {  	[sflag:s0] =	ssyncadd.remote.s32 $0x1  }
0xbb: {  	_ =	sfence.sel $0xFFFF  }
0xbc: {  	[dreg:$0x0] =	wrdreg $0xFFFFFFFF;
	(pc) =	sbr.abs _section_cstart, $3  }
0xbd: {  	[dreg:$0x1] =	wrdreg $0xFFFFFFFF  }
0xbe: {  	_ =	task.clear_ibuf [dreg:s4], $0x2FFFF;
	_ =	strace $0x9FFFFFFF  }
0xbf: {  	(tm) =	ssettm $0x7FFFFFFF  }
tec
execute0_lowered:
.L_overlay_start_1:
0x0: {  	(tag) =	ssettag $0x1  }
0x1: {  	s0 =	stileid.u32  }
0x2: {  	s1 =	smin.u32 s0, $0x9  }
0x3: {  	s1 =	sadd.s32 s0, s1  }
0x4: {  	p0 =	slt.u32 s0, $0x9;
	s2 =	smul.u32 $0x50, s1;
	s1 =	simm.s32 $0xA0  }
0x5: {  	s1 =	simm.s32 @!p0 $0x50  }
0x6: {  	s1 =	sadd.s32 s1, s2  }
0x7: {  	s3 =	smin.u32 s1, $0x7D0  }
0x8: {  	s7 =	ssub.s32 s3, s2  }
0x9: {  	p0 =	sgt.s32 s7, $0x0  }
0xa: {  	s7 =	simm.s32 @!p0 $0x0  }
0xb: {  	s31 =	smul.u32 $0xCCCD, s7  }
0xc: {  	s9 =	rddreg [dreg:$0x0];
	s6 =	simm.s32 $0x1;
	s11 =	simm.s32 $0x3  }
0xd: {  	s13 =	simm.s32 $0x0;
	s12 =	simm.s32 $0x0;
	s8 =	sshrl.u32 s31, $0x16  }
0xe: {  	s4 =	sadd.s32 $0xC1000, s9;
	s5 =	sadd.s32 $0xB2000, s9;
	s10 =	smul.u32 $0x50, s8  }
.Ltmp0:
0xf: {  	s9 =	sadd.s32 $0x7E00, s9;
	s1 =	rddreg [dreg:$0x1];
	(pc) =	sbr.rel .LBB2_1-.Ltmp0, $4  }
0x10: {  	_ =	strace $0x80000053;
	p0 =	sne.s32 s7, s10;
	s10 =	simm.s32 $0x1  }
0x11: {  	[sflag:s6] =	ssyncpa.u1 $0x0;
	s7 =	simm.s32 $0x2;
	s10 =	simm.s32 @!p0 $0x0  }
0x12: {  	[sflag:s7] =	ssyncpa.u1 $0x0;
	p0 =	por $0x0, $0x0;
	s8 =	sadd.s32 s8, s10  }
0x13: {  	vm0 =	vmmov $0xff;
	vm1 =	vcmask $0x3F20;
	[sflag:s11] =	ssyncpa.u1 $0x0;
	s11 =	smov.u32 s2;
	s10 =	sadd.s32 $0x1, s8  }
.LBB2_6:
0x14: {  	[hbm:s17] =	stream.linear.scatter [tilespmem:s14], [sflag:$0x3], $0x400, $0x38;
	[tilespmem:$0x50A0] =	vst v63  }
.LBB2_7:
0x15: {  	s13 =	sadd.s32 $0x50, s11  }
0x16: {  	s15 =	smov.u32 s2;
	p2 =	slt.s32 s13, s3  }
0x17: {  	s15 =	smov.u32 @p2 s13;
	p2 =	sne.s32 s12, s10  }
.Ltmp1:
0x18: {  	p1 =	slt.u32 s12, $0x2;
	(pc) =	sbr.rel @!p2 .LBB2_8-.Ltmp1, $4  }
0x19: {  	s14 =	simm.s32 @!p1 $0x3  }
0x1a: {  	s16 =	sadd.s32 $0x1, s12;
	_ =	swait.ge @!p1 [sflag:s14], $0x2800  }
0x1b: {  	p0 =	por !p0, !p0;
	s13 =	smov.u32 s11;
	[sflag:s14] =	ssyncset.done @!p1 $0x0  }
0x1c: {  	s12 =	smov.u32 s16;
	s11 =	smov.u32 s15;
	[sflag:s14] =	ssyncadd.s32 @!p1 $0xFFFFD800  }
.LBB2_1:
0x1d: {  	p1 =	sge.u32 s12, s8  }
0x1e: {  	s14 =	sxor.u32 @!p1 $0xFFFFFFFF, s12  }
0x1f: {  	s14 =	sand.u32 @!p1 $0x1, s14  }
0x20: {  	s14 =	smul.u32 @!p1 $0x140, s14  }
0x21: {  	s31 =	sadd.s32 $0xFFFFFFFF, s12;
	s15 =	sshrl.u32 @!p1 s11, $0x3  }
0x22: {  	s16 =	sand.u32 @!p1 $0x7, s11;
	s15 =	sadd.s32 @!p1 s5, s15;
	s14 =	sshrl.u32 @!p1 s14, $0x2  }
0x23: {  	[tilespmem:s14], [sflag:$0x2] =	stream.linear.gather @!p1 [hbm4b:s15+s16], $0x50, $0x38;
	[tilespmem:$0x50A0] =	vst v63  }
0x24: {  	p1 =	sge.u32 s31, s8  }
.Ltmp2:
0x25: {  	_ = 	snop;
	(pc) =	sbr.rel @p1 .LBB2_7-.Ltmp2, $1  }
0x26: {  	_ =	sdelay $0x3  }
0x27: {  	s14 =	simm.s32 $0x1  }
0x28: {  	s14 =	simm.s32 @!p0 $0x0  }
0x29: {  	s15 =	smul.u32 $0x140, s14  }
0x2a: {  	_ =	swait.ge [sflag:s7], $0x50  }
0x2b: {  	[sflag:s7] =	ssyncset.done $0x0;
	s16 =	sshrl.u32 s15, $0x2  }
0x2c: {  	[sflag:s7] =	ssyncadd.s32 $0xFFFFFFB0;
	s15 =	sadd.s32 $0x0, s16  }
0x2d: {  	v0 =	vld.msk [tilespmem:s15+$0x0 ss:$0x1], $0xffff;
	_ =	sdelay $0x4  }
0x2e: {  	vm2 =	veq.s32 v0, $0x80000000;
	v1 =	vand.u32 $0x1, v0;
	v0 =	vshll.u32 v0, $0x7  }
0x2f: {  	v1 =	vsel vm2, $0xFFFFFFFF, v1;
	v0 =	vand.u32 $0x1FFF00, v0  }
0x30: {  	v0 =	vsel vm2, $0xFFFFFF00, v0;
	v2 =	vand.u32 $0xFFFFFF00, v1;
	v1 =	vshll.u32 v1, $0x7  }
0x31: {  	v0 =	vadd.s32 v2, v0;
	v1 =	vand.u32 $0x80, v1  }
0x32: {  	v0 =	vor.u32 v1, v0  }
0x33: {  	v0 =	vshrl.u32 v0, $0x3  }
0x34: {  	s14 =	smul.u32 $0xA000, s14;
	_ =	sdelay $0x1  }
0x35: {  	s14 =	sshrl.u32 s14, $0x2  }
0x36: {  	s14 =	sor.u32 $0xA0, s14  }
0x37: {  	[tilespmem:s14], [sflag:$0x1] =	stream.indirect_vreg.gather [hbm:s4], $0x80, v0, vm0, $0x38;
	[tilespmem:$0x50A0] =	vst v63  }
0x38: {  	s17 =	sadd.s32 $0x10, s16;
	s15 =	sadd.s32 $0x400, s14  }
0x39: {  	[tilespmem:s15], [sflag:$0x1] =	stream.indirect_vreg.gather [hbm:s4], $0x80, v0, vm1, $0x38;
	[tilespmem:$0x50A0] =	vst v63  }
0x3a: {  	s18 =	simm.s32 $0x80;
	v0 =	vld.msk [tilespmem:s17+$0x0 ss:$0x1], $0xffff;
	s17 =	smov.u32 s14  }
.LBB2_3:
0x3b: {  	p1 =	sne.s32 s18, $0x100;
	_ =	sdelay $0x4  }
0x3c: {  	vm2 =	veq.s32 v0, $0x80000000;
	v1 =	vand.u32 $0x1, v0;
	v0 =	vshll.u32 v0, $0x7  }
0x3d: {  	v1 =	vsel vm2, $0xFFFFFFFF, v1;
	v0 =	vand.u32 $0x1FFF00, v0  }
0x3e: {  	v0 =	vsel vm2, $0xFFFFFF00, v0;
	v2 =	vand.u32 $0xFFFFFF00, v1;
	v1 =	vshll.u32 v1, $0x7  }
0x3f: {  	v0 =	vadd.s32 v2, v0;
	v1 =	vand.u32 $0x80, v1  }
0x40: {  	v0 =	vor.u32 v1, v0  }
0x41: {  	v0 =	vshrl.u32 v0, $0x3;
	_ =	sdelay $0x3  }
.Ltmp3:
0x42: {  	s19 =	sshra.s32 s18, $0x2;
	s17 =	sadd.s32 $0x800, s17;
	(pc) =	sbr.rel @p1 .LBB2_3-.Ltmp3, $4  }
0x43: {  	[tilespmem:s17], [sflag:$0x1] =	stream.indirect_vreg.gather [hbm:s4], $0x80, v0, vm0, $0x38;
	[tilespmem:$0x50A0] =	vst v63  }
0x44: {  	s19 =	sadd.s32 s19, s16;
	s20 =	sadd.s32 $0x400, s17  }
0x45: {  	[tilespmem:s20], [sflag:$0x1] =	stream.indirect_vreg.gather [hbm:s4], $0x80, v0, vm1, $0x38;
	[tilespmem:$0x50A0] =	vst v63  }
0x46: {  	s18 =	sadd.s32 $0x40, s18;
	v0 =	vld.msk [tilespmem:s19+$0x0 ss:$0x1], $0xffff  }
0x47: {  	_ =	sdelay $0x3  }
0x48: {  	vm2 =	veq.s32 v0, $0x80000000;
	v1 =	vand.u32 $0x1, v0;
	v63 =	vshll.u32 v0, $0x7  }
0x49: {  	v1 =	vsel vm2, $0xFFFFFFFF, v1;
	v0 =	vand.u32 $0x1FFF00, v63  }
0x4a: {  	v0 =	vsel vm2, $0xFFFFFF00, v0;
	v2 =	vand.u32 $0xFFFFFF00, v1;
	v1 =	vshll.u32 v1, $0x7  }
0x4b: {  	v0 =	vadd.s32 v2, v0;
	v1 =	vand.u32 $0x80, v1  }
0x4c: {  	v0 =	vor.u32 v1, v0  }
0x4d: {  	v0 =	vshrl.u32 v0, $0x3;
	_ =	sdelay $0x3  }
0x4e: {  	s16 =	sadd.s32 $0x800, s17  }
0x4f: {  	[tilespmem:s16], [sflag:$0x1] =	stream.indirect_vreg.gather [hbm:s4], $0x80, v0, vm0, $0x38;
	[tilespmem:$0x50A0] =	vst v63  }
0x50: {  	s16 =	sadd.s32 $0x400, s16  }
0x51: {  	[tilespmem:s16], [sflag:$0x1] =	stream.indirect_vreg.gather [hbm:s4], $0x80, v0, vm1, $0x38;
	[tilespmem:$0x50A0] =	vst v63  }
0x52: {  	s13 =	sshll.u32 s13, $0x4;
	_ =	swait.ge [sflag:s6], $0x2800  }
0x53: {  	s13 =	sadd.s32 s13, s9;
	[sflag:s6] =	ssyncset.done $0x0  }
0x54: {  	s17 =	sadd.s32 $0x0, s13;
	s16 =	simm.s32 $0x80;
	[sflag:s6] =	ssyncadd.s32 $0xFFFFD800  }
.LBB2_5:
0x55: {  	[hbm:s17] =	stream.linear.scatter [tilespmem:s14], [sflag:$0x3], $0x400, $0x38;
	[tilespmem:$0x50A0] =	vst v63  }
0x56: {  	s17 =	smov.u32 s16;
	s14 =	smov.u32 s15;
	p1 =	sne.s32 s16, $0x480  }
.Ltmp4:
0x57: {  	s16 =	sadd.s32 $0x80, s16;
	(pc) =	sbr.rel @p1 .LBB2_5-.Ltmp4, $2  }
0x58: {  	_ =	sdelay $0x2  }
0x59: {  	s15 =	sadd.s32 $0x400, s15;
	s17 =	sadd.s32 s17, s13  }
.Ltmp5:
0x5a: {  	_ = 	snop;
	(pc) =	sbr.rel .LBB2_6-.Ltmp5, $1  }
0x5b: {  	_ =	sdelay $0x3  }
.LBB2_8:
0x5c: {  	_ =	sfence.sel $0x180000  }
0x5d: {  	s2 =	simm.s32 $0x2;
	[bflag:$0x0] =	sbarrier.arrive $0xFFFF  }
0x5e: {  	s30 =	simm.s32 $0x3;
	[sflag:s2] =	ssyncpa.u1 $0x1  }
0x5f: {  	s31 =	simm.s32 $0x1;
	[sflag:s30] =	ssyncpa.u1 $0x1  }
0x60: {  	[sflag:s31] =	ssyncpa.u1 $0x1  }
0x61: {  	p0 =	sne.s32 s0, $0x0;
	_ =	strace $0x90000053  }
0x62: {  	s0 =	sadd.s32 @!p0 $0x100000, s1;
	[bflag:$0x2] =	sbarrier.arrive $0xFFFF  }
0x63: {  	[sflag:s0] =	ssyncadd.tile.s32 @!p0 $0x1;
	_ =	shalt  }
.Lfunc_end2:
_tile_overlayer_lowered:
.L_overlay_start_2:
0x64: {  	(tag) =	ssettag $0x2  }
0x65: {  	s0 =	rddreg [dreg:$0x0];
	s2 =	stileid.u32  }
0x66: {  	s1 =	rddreg [dreg:$0x1];
	p0 =	sne.s32 s2, $0x0  }
0x67: {  	s3 =	rddreg [dreg:$0x2];
	[bflag:$0x3] =	sbarrier.arrive $0xFFFF;
	s2 =	simm.s32 @!p0 $0x1C01  }
0x68: {  	[timem:s3], [sflag:s2] =	dma.local @!p0 [hbm:s0], s1  }
0x69: {  	s0 =	simm.s32 @!p0 $0x1  }
0x6a: {  	_ =	swait.ge @!p0 [sflag:s0], s1  }
0x6b: {  	s1 =	ssub.s32 @!p0 $0x0, s1;
	[sflag:s0] =	ssyncset.done @!p0 $0x0  }
0x6c: {  	[sflag:s0] =	ssyncadd.s32 @!p0 s1  }
0x6d: {  	[bflag:$0x3] =	sbarrier.arrive $0xFFFF  }
0x6e: {  	_ =	shalt  }

// kernel: gather_offload_async_start.5
scs
__scs_entry_jumppad:
0x0: {  	(pc) =	sbr.rel $0x88, $3  }
0x1: {  	(tag) =	ssettag $0x0;
	lr =	simm.s32 $0x1  }
0x2: {  	[smem:$0x3F9E] =	sst lr;
	_ =	strace $0xD0000000  }
0x3: {  	_ = 	snop  }
0x4: {  	_ = 	snop  }
0x5: {  	_ = 	snop  }
0x6: {  	_ = 	snop  }
0x7: {  	_ = 	snop  }
__scs_overlays_trampoline_lowered:
0x8: {  	[smem:$0x3FAD] =	sst s0  }
0x9: {  	[smem:$0x3FAE] =	sst s1  }
0xa: {  	[smem:$0x3FAF] =	sst s2  }
0xb: {  	[smem:$0x3FB0] =	sst s3  }
0xc: {  	[smem:$0x3FB1] =	sst s4  }
0xd: {  	[smem:$0x3FB2] =	sst s5  }
0xe: {  	[smem:$0x3FB3] =	sst s6  }
0xf: {  	[smem:$0x3FB4] =	sst s7  }
0x10: {  	[smem:$0x3FB5] =	sst s8  }
0x11: {  	[smem:$0x3FB6] =	sst s9;
	s0 =	simm.s32 @!p0 $0x0  }
0x12: {  	s1 =	sld [smem:$0x3F9C];
	s0 =	simm.s32 @p0 $0x1  }
0x13: {  	[smem:$0x3FB7] =	sst s0;
	s0 =	simm.s32 @!p1 $0x0  }
0x14: {  	s2 =	sld [smem:$0x3F9B];
	s0 =	simm.s32 @p1 $0x1  }
0x15: {  	[smem:$0x3FB8] =	sst s0;
	s0 =	simm.s32 @!p2 $0x0  }
0x16: {  	s3 =	sld [smem:$0x3FDB];
	s0 =	simm.s32 @p2 $0x1  }
0x17: {  	s4 =	simm.s32 $0x1BF5;
	[smem:$0x3FBA] =	sst s0  }
0x18: {  	s0 =	sld [smem:$0x3F9D];
	_ =	swait.ge [sflag:s4], $0x0  }
0x19: {  	s7 =	sld [smem:$0x3F9E]  }
0x1a: {  	s8 =	sadd.s32 $0xFFFFE003, lr  }
0x1b: {  	s9 =	sadd.s32 $0xFFFFFEF7, lr;
	s5 =	simm.s32 $0xFFFFFFFF;
	p2 =	slt.u32 s8, $0xFFFFF086  }
0x1c: {  	p1 =	slt.u32 s9, $0xF7A;
	s5 =	simm.s32 @!p2 $0x0  }
0x1d: {  	s5 =	simm.s32 @p1 $0x1;
	p0 =	seq.s32 s7, s2  }
0x1e: {  	s7 =	smul.u32 @!p0 $0xF7A, s2;
	p2 =	seq.s32 @!p0 s5, $0x0  }
0x1f: {  	s9 =	smul.u32 $0xF7A, s1;
	s8 =	simm.s32 @!p0 $0x1BF5;
	p2 =	por !p2, p0  }
0x20: {  	[sflag:s8] =	ssyncset.s32 @!p0 $0xFFFFF086;
	s6 =	sadd.s32 @!p0 s3, s7;
	s7 =	simm.s32 @!p0 $0x108  }
0x21: {  	s3 =	sadd.s32 s3, s9;
	s6 =	sadd.s32 @!p0 $0x88, s6;
	s7 =	simm.s32 @p2 $0x1082  }
0x22: {  	[simem:s7], [sflag:s8] =	dma.local @!p0 [hbm:s6], $0xF7A  }
0x23: {  	s9 =	sor.u32 $0xD0000000, s2;
	s6 =	simm.s32 $0x108;
	_ =	swait.ge @!p0 [sflag:s8], $0x0  }
0x24: {  	s3 =	sadd.s32 $0x88, s3;
	s6 =	simm.s32 @!p1 $0x1082;
	[sflag:s4] =	ssyncset.s32 $0xFFFFF086  }
0x25: {  	[simem:s6], [sflag:s4] =	dma.local [hbm:s3], $0xF7A  }
0x26: {  	[smem:$0x3F9E] =	sst s1;
	(tag) =	ssettag s2;
	_ =	strace s9  }
0x27: {  	s1 =	sld [smem:$0x3FAE]  }
0x28: {  	s2 =	sld [smem:$0x3FAF]  }
0x29: {  	s4 =	sld [smem:$0x3FB1]  }
0x2a: {  	p0 =	seq.s32 s5, $0x0;
	s5 =	sld [smem:$0x3FB2]  }
0x2b: {  	s6 =	sld [smem:$0x3FB3]  }
0x2c: {  	s7 =	sld [smem:$0x3FB4]  }
0x2d: {  	s3 =	simm.s32 $0x108;
	s8 =	sld [smem:$0x3FB5]  }
0x2e: {  	s3 =	simm.s32 @!p0 $0x1082;
	s9 =	sld [smem:$0x3FB6]  }
0x2f: {  	lr =	sadd.s32 s0, s3;
	s0 =	sld [smem:$0x3FAD]  }
0x30: {  	s3 =	sld [smem:$0x3FB0]  }
0x31: {  	[smem:$0x3FB9] =	sst s10  }
0x32: {  	s10 =	sld [smem:$0x3FB7];
	_ =	sdelay $0x3  }
0x33: {  	p0 =	seq.s32 s10, $0x1;
	s10 =	sld [smem:$0x3FB9];
	_ =	sdelay $0x3  }
0x34: {  	[smem:$0x3FB9] =	sst s10  }
0x35: {  	s10 =	sld [smem:$0x3FB8];
	_ =	sdelay $0x3  }
0x36: {  	p1 =	seq.s32 s10, $0x1;
	s10 =	sld [smem:$0x3FB9];
	_ =	sdelay $0x3  }
0x37: {  	[smem:$0x3FB9] =	sst s10  }
0x38: {  	s10 =	sld [smem:$0x3FBA]  }
0x39: {  	_ = 	snop;
	(pc) =	sbr.ind lr, $3  }
0x3a: {  	_ = 	snop  }
0x3b: {  	_ = 	snop  }
0x3c: {  	p2 =	seq.s32 s10, $0x1;
	s10 =	sld [smem:$0x3FB9]  }
0x3d: {  	_ =	shalt  }
0x3e: {  	_ =	shalt  }
0x3f: {  	_ =	shalt  }
0x40: {  	_ =	shalt  }
0x41: {  	_ =	shalt  }
0x42: {  	_ =	shalt  }
0x43: {  	_ =	shalt  }
0x44: {  	_ =	shalt  }
0x45: {  	_ =	shalt  }
0x46: {  	_ =	shalt  }
0x47: {  	_ =	shalt  }
0x48: {  	_ =	shalt  }
0x49: {  	_ =	shalt  }
0x4a: {  	_ =	shalt  }
0x4b: {  	_ =	shalt  }
0x4c: {  	_ =	shalt  }
0x4d: {  	_ =	shalt  }
0x4e: {  	_ =	shalt  }
0x4f: {  	_ =	shalt  }
0x50: {  	_ =	shalt  }
0x51: {  	_ =	shalt  }
0x52: {  	_ =	shalt  }
0x53: {  	_ =	shalt  }
0x54: {  	_ =	shalt  }
0x55: {  	_ =	shalt  }
0x56: {  	_ =	shalt  }
0x57: {  	_ =	shalt  }
0x58: {  	_ =	shalt  }
0x59: {  	_ =	shalt  }
0x5a: {  	_ =	shalt  }
0x5b: {  	_ =	shalt  }
0x5c: {  	_ =	shalt  }
0x5d: {  	_ =	shalt  }
0x5e: {  	_ =	shalt  }
0x5f: {  	_ =	shalt  }
0x60: {  	_ =	shalt  }
0x61: {  	_ =	shalt  }
0x62: {  	_ =	shalt  }
0x63: {  	_ =	shalt  }
0x64: {  	_ =	shalt  }
0x65: {  	_ =	shalt  }
0x66: {  	_ =	shalt  }
0x67: {  	_ =	shalt  }
0x68: {  	_ =	shalt  }
0x69: {  	_ =	shalt  }
0x6a: {  	_ =	shalt  }
0x6b: {  	_ =	shalt  }
0x6c: {  	_ =	shalt  }
0x6d: {  	_ =	shalt  }
0x6e: {  	_ =	shalt  }
0x6f: {  	_ =	shalt  }
0x70: {  	_ =	shalt  }
0x71: {  	_ =	shalt  }
0x72: {  	_ =	shalt  }
0x73: {  	_ =	shalt  }
0x74: {  	_ =	shalt  }
0x75: {  	_ =	shalt  }
0x76: {  	_ =	shalt  }
0x77: {  	_ =	shalt  }
0x78: {  	_ =	shalt  }
0x79: {  	_ =	shalt  }
0x7a: {  	_ =	shalt  }
0x7b: {  	_ =	shalt  }
0x7c: {  	_ =	shalt  }
0x7d: {  	_ =	shalt  }
0x7e: {  	_ =	shalt  }
0x7f: {  	_ =	shalt  }
0x80: {  	_ =	shalt  }
0x81: {  	_ =	shalt  }
0x82: {  	_ =	shalt  }
0x83: {  	_ =	shalt  }
0x84: {  	_ =	shalt  }
0x85: {  	_ =	shalt  }
0x86: {  	_ =	shalt  }
0x87: {  	_ =	shalt  }
.Lfunc_end0:
.L_simem_size_0:
called_computation.5_lowered:
.L_overlay_start_0:
0x88: {  	s0 =	sld [smem:$0x3FD9]  }
0x89: {  	s1 =	sld [smem:$0x3FFE];
	_ =	sdelay $0x3  }
0x8a: {  	s0 =	sadd.s32 s1, s0  }
0x8b: {  	[smem:$0x3FC5] =	sst s0  }
0x8c: {  	_ = 	snop  }
0x8d: {  	(tm) =	ssettm $0x1  }
0x8e: {  	s15 =	sld [smem:$0x3FFB];
	_ =	sdelay $0x3  }
0x8f: {  	_ =	strace s15  }
0x90: {  	s0 =	sld [smem:$0x3FFC];
	_ =	sdelay $0x3  }
0x91: {  	_ =	strace s0  }
0x92: {  	s0 =	sld [smem:$0x3FFD];
	_ =	sdelay $0x3  }
0x93: {  	_ =	strace s0  }
0x94: {  	_ =	strace $0x8FFFFFFF  }
0x95: {  	s16 =	sld [smem:$0x3FDB];
	_ =	sdelay $0x1  }
0x96: {  	s17 =	simm.s32 $_scs_section_size  }
0x97: {  	s2 =	simm.s32 $_size__tile_overlayer_lowered;
	s3 =	simm.s32 $_tile_overlayer_lowered  }
0x98: {  	s20 =	simm.s32 $0x1BFF;
	s19 =	sshll.u32 s3, $0x1;
	s0 =	sadd.s32 s17, s16  }
0x99: {  	s4 =	simm.s32 $0x0;
	s18 =	sshll.u32 s2, $0x1;
	s2 =	sadd.s32 s19, s0  }
0x9a: {  	[timem:s4], [sflag:s20] =	dma.local [hbm:s2], s18  }
0x9b: {  	_ =	swait.ge [sflag:s20], s18  }
0x9c: {  	s1 =	ssub.s32 $0x0, s18;
	[sflag:s20] =	ssyncset.done $0x0  }
0x9d: {  	[sflag:s20] =	ssyncadd.s32 s1;
	_ =	sdelay $0x1  }
0x9e: {  	s21 =	simm.s32 $0x1B8B  }
0x9f: {  	_ =	swait.ge [sflag:s21], $0x1  }
0xa0: {  	[sflag:s21] =	ssyncset.done $0x0  }
0xa1: {  	s23 =	simm.s32 $0x1B8E;
	s22 =	sld [smem:$0x3FFE];
	[sflag:s21] =	ssyncadd.s32 $0xFFFFFFFF  }
0xa2: {  	s24 =	simm.s32 $execute0_lowered;
	[smem:$0x3FD2] =	sst s23  }
0xa3: {  	s2 =	sshll.u32 s24, $0x1;
	_ =	strace $0x8000004F;
	[dreg:$0x1] =	wrdreg $0xFFFFFFFF  }
0xa4: {  	s25 =	simm.s32 $_size_execute0_lowered;
	s0 =	sadd.s32 s0, s2;
	[dreg:$0x0] =	wrdreg $0x0  }
0xa5: {  	s2 =	sshll.u32 s25, $0x1;
	[dreg:$0x2] =	wrdreg s0  }
0xa6: {  	[dreg:$0x3] =	wrdreg s2  }
0xa7: {  	[dreg:$0x4] =	wrdreg $0xC0  }
0xa8: {  	_ =	task [dreg:s4], $0x5FFFF  }
0xa9: {  	[dreg:$0x1] =	wrdreg $0xFFFFFFFF  }
0xaa: {  	[dreg:$0x0] =	wrdreg $0x60  }
0xab: {  	[dreg:$0x2] =	wrdreg s22  }
0xac: {  	[dreg:$0x3] =	wrdreg $0xB  }
0xad: {  	_ =	task.clear_ibuf [dreg:s4], $0x4FFFF;
	_ =	strace $0x9000004F  }
0xae: {  	s26 =	simm.s32 $0xB;
	_ =	strace $0x80000051  }
0xaf: {  	_ =	swait.ge [sflag:s26], $0x1  }
0xb0: {  	[sflag:s26] =	ssyncadd.s32 $0xFFFFFFFF  }
0xb1: {  	_ =	strace $0x90000051  }
0xb2: {  	_ =	sfence  }
0xb3: {  	s28 =	sld [smem:$0x0];
	_ =	sdelay $0x1  }
0xb4: {  	s29 =	srdreg.scid  }
0xb5: {  	s30 =	sshll.u32 s29, $0xD;
	s31 =	sshrl.u32 s29, $0x2  }
0xb6: {  	s1 =	sand.u32 $0x1, s29;
	s2 =	sand.u32 $0x4000, s30;
	s0 =	sadd.s32 s31, s28  }
0xb7: {  	s1 =	sor.u32 s2, s1;
	s0 =	sshll.u32 s0, $0x11  }
0xb8: {  	s0 =	sor.u32 s0, s1  }
0xb9: {  	s0 =	sadd.s32 $0x8F2B, s0  }
0xba: {  	[sflag:s0] =	ssyncadd.remote.s32 $0x1  }
0xbb: {  	_ =	sfence.sel $0xFFFF  }
0xbc: {  	[dreg:$0x0] =	wrdreg $0xFFFFFFFF;
	(pc) =	sbr.abs _section_cstart, $3  }
0xbd: {  	[dreg:$0x1] =	wrdreg $0xFFFFFFFF  }
0xbe: {  	_ =	task.clear_ibuf [dreg:s4], $0x2FFFF;
	_ =	strace $0x9FFFFFFF  }
0xbf: {  	(tm) =	ssettm $0x7FFFFFFF  }
tec
execute0_lowered:
.L_overlay_start_1:
0x0: {  	(tag) =	ssettag $0x1  }
0x1: {  	s0 =	stileid.u32  }
0x2: {  	s1 =	smin.u32 s0, $0x9  }
0x3: {  	s1 =	sadd.s32 s0, s1  }
0x4: {  	p0 =	slt.u32 s0, $0x9;
	s2 =	smul.u32 $0x50, s1;
	s1 =	simm.s32 $0xA0  }
0x5: {  	s1 =	simm.s32 @!p0 $0x50  }
0x6: {  	s1 =	sadd.s32 s1, s2  }
0x7: {  	s3 =	smin.u32 s1, $0x7D0  }
0x8: {  	s7 =	ssub.s32 s3, s2  }
0x9: {  	p0 =	sgt.s32 s7, $0x0  }
0xa: {  	s7 =	simm.s32 @!p0 $0x0  }
0xb: {  	s31 =	smul.u32 $0xCCCD, s7  }
0xc: {  	s4 =	rddreg [dreg:$0x0];
	s6 =	simm.s32 $0x1  }
0xd: {  	s10 =	simm.s32 $0x3;
	s13 =	simm.s32 $0x0;
	s8 =	sshrl.u32 s31, $0x16  }
0xe: {  	s12 =	simm.s32 $0x0;
	s5 =	sadd.s32 $0xB2400, s4;
	s9 =	smul.u32 $0x50, s8  }
.Ltmp0:
0xf: {  	s11 =	smov.u32 s2;
	s1 =	rddreg [dreg:$0x1];
	(pc) =	sbr.rel .LBB2_1-.Ltmp0, $4  }
0x10: {  	_ =	strace $0x80000050;
	p0 =	sne.s32 s7, s9;
	s9 =	simm.s32 $0x1  }
0x11: {  	[sflag:s6] =	ssyncpa.u1 $0x0;
	s7 =	simm.s32 $0x2;
	s9 =	simm.s32 @!p0 $0x0  }
0x12: {  	[sflag:s7] =	ssyncpa.u1 $0x0;
	p0 =	por $0x0, $0x0;
	s8 =	sadd.s32 s8, s9  }
0x13: {  	vm0 =	vmmov $0xff;
	vm1 =	vcmask $0x3F20;
	s9 =	sadd.s32 $0xB1E00, s4;
	[sflag:s10] =	ssyncpa.u1 $0x0;
	s10 =	sadd.s32 $0x1, s8  }
.LBB2_6:
0x14: {  	[hbm:s17] =	stream.linear.scatter [tilespmem:s14], [sflag:$0x3], $0x400, $0x38;
	[tilespmem:$0x50A0] =	vst v63  }
.LBB2_7:
0x15: {  	s13 =	sadd.s32 $0x50, s11  }
0x16: {  	s15 =	smov.u32 s2;
	p2 =	slt.s32 s13, s3  }
0x17: {  	s15 =	smov.u32 @p2 s13;
	p2 =	sne.s32 s12, s10  }
.Ltmp1:
0x18: {  	p1 =	slt.u32 s12, $0x2;
	(pc) =	sbr.rel @!p2 .LBB2_8-.Ltmp1, $4  }
0x19: {  	s14 =	simm.s32 @!p1 $0x3  }
0x1a: {  	s16 =	sadd.s32 $0x1, s12;
	_ =	swait.ge @!p1 [sflag:s14], $0x2800  }
0x1b: {  	p0 =	por !p0, !p0;
	s13 =	smov.u32 s11;
	[sflag:s14] =	ssyncset.done @!p1 $0x0  }
0x1c: {  	s12 =	smov.u32 s16;
	s11 =	smov.u32 s15;
	[sflag:s14] =	ssyncadd.s32 @!p1 $0xFFFFD800  }
.LBB2_1:
0x1d: {  	p1 =	sge.u32 s12, s8  }
0x1e: {  	s14 =	sxor.u32 @!p1 $0xFFFFFFFF, s12  }
0x1f: {  	s14 =	sand.u32 @!p1 $0x1, s14  }
0x20: {  	s14 =	smul.u32 @!p1 $0x140, s14  }
0x21: {  	s31 =	sadd.s32 $0xFFFFFFFF, s12;
	s15 =	sshrl.u32 @!p1 s11, $0x3  }
0x22: {  	s16 =	sand.u32 @!p1 $0x7, s11;
	s15 =	sadd.s32 @!p1 s9, s15;
	s14 =	sshrl.u32 @!p1 s14, $0x2  }
0x23: {  	[tilespmem:s14], [sflag:$0x2] =	stream.linear.gather @!p1 [hbm4b:s15+s16], $0x50, $0x38;
	[tilespmem:$0x50A0] =	vst v63  }
0x24: {  	p1 =	sge.u32 s31, s8  }
.Ltmp2:
0x25: {  	_ = 	snop;
	(pc) =	sbr.rel @p1 .LBB2_7-.Ltmp2, $1  }
0x26: {  	_ =	sdelay $0x3  }
0x27: {  	s14 =	simm.s32 $0x1  }
0x28: {  	s14 =	simm.s32 @!p0 $0x0  }
0x29: {  	s15 =	smul.u32 $0x140, s14  }
0x2a: {  	_ =	swait.ge [sflag:s7], $0x50  }
0x2b: {  	[sflag:s7] =	ssyncset.done $0x0;
	s16 =	sshrl.u32 s15, $0x2  }
0x2c: {  	[sflag:s7] =	ssyncadd.s32 $0xFFFFFFB0;
	s15 =	sadd.s32 $0x0, s16  }
0x2d: {  	v0 =	vld.msk [tilespmem:s15+$0x0 ss:$0x1], $0xffff;
	_ =	sdelay $0x4  }
0x2e: {  	vm2 =	veq.s32 v0, $0x80000000;
	v1 =	vand.u32 $0x1, v0;
	v0 =	vshll.u32 v0, $0x7  }
0x2f: {  	v1 =	vsel vm2, $0xFFFFFFFF, v1;
	v0 =	vand.u32 $0x7FF00, v0  }
0x30: {  	v0 =	vsel vm2, $0xFFFFFF00, v0;
	v2 =	vand.u32 $0xFFFFFF00, v1;
	v1 =	vshll.u32 v1, $0x7  }
0x31: {  	v0 =	vadd.s32 v2, v0;
	v1 =	vand.u32 $0x80, v1  }
0x32: {  	v0 =	vor.u32 v1, v0  }
0x33: {  	v0 =	vshrl.u32 v0, $0x3  }
0x34: {  	s14 =	smul.u32 $0xA000, s14;
	_ =	sdelay $0x1  }
0x35: {  	s14 =	sshrl.u32 s14, $0x2  }
0x36: {  	s14 =	sor.u32 $0xA0, s14  }
0x37: {  	[tilespmem:s14], [sflag:$0x1] =	stream.indirect_vreg.gather [hbm:s5], $0x80, v0, vm0, $0x38;
	[tilespmem:$0x50A0] =	vst v63  }
0x38: {  	s17 =	sadd.s32 $0x10, s16;
	s15 =	sadd.s32 $0x400, s14  }
0x39: {  	[tilespmem:s15], [sflag:$0x1] =	stream.indirect_vreg.gather [hbm:s5], $0x80, v0, vm1, $0x38;
	[tilespmem:$0x50A0] =	vst v63  }
0x3a: {  	s18 =	simm.s32 $0x80;
	v0 =	vld.msk [tilespmem:s17+$0x0 ss:$0x1], $0xffff;
	s17 =	smov.u32 s14  }
.LBB2_3:
0x3b: {  	p1 =	sne.s32 s18, $0x100;
	_ =	sdelay $0x4  }
0x3c: {  	vm2 =	veq.s32 v0, $0x80000000;
	v1 =	vand.u32 $0x1, v0;
	v0 =	vshll.u32 v0, $0x7  }
0x3d: {  	v1 =	vsel vm2, $0xFFFFFFFF, v1;
	v0 =	vand.u32 $0x7FF00, v0  }
0x3e: {  	v0 =	vsel vm2, $0xFFFFFF00, v0;
	v2 =	vand.u32 $0xFFFFFF00, v1;
	v1 =	vshll.u32 v1, $0x7  }
0x3f: {  	v0 =	vadd.s32 v2, v0;
	v1 =	vand.u32 $0x80, v1  }
0x40: {  	v0 =	vor.u32 v1, v0  }
0x41: {  	v0 =	vshrl.u32 v0, $0x3;
	_ =	sdelay $0x3  }
.Ltmp3:
0x42: {  	s19 =	sshra.s32 s18, $0x2;
	s17 =	sadd.s32 $0x800, s17;
	(pc) =	sbr.rel @p1 .LBB2_3-.Ltmp3, $4  }
0x43: {  	[tilespmem:s17], [sflag:$0x1] =	stream.indirect_vreg.gather [hbm:s5], $0x80, v0, vm0, $0x38;
	[tilespmem:$0x50A0] =	vst v63  }
0x44: {  	s19 =	sadd.s32 s19, s16;
	s20 =	sadd.s32 $0x400, s17  }
0x45: {  	[tilespmem:s20], [sflag:$0x1] =	stream.indirect_vreg.gather [hbm:s5], $0x80, v0, vm1, $0x38;
	[tilespmem:$0x50A0] =	vst v63  }
0x46: {  	s18 =	sadd.s32 $0x40, s18;
	v0 =	vld.msk [tilespmem:s19+$0x0 ss:$0x1], $0xffff  }
0x47: {  	_ =	sdelay $0x3  }
0x48: {  	vm2 =	veq.s32 v0, $0x80000000;
	v1 =	vand.u32 $0x1, v0;
	v63 =	vshll.u32 v0, $0x7  }
0x49: {  	v1 =	vsel vm2, $0xFFFFFFFF, v1;
	v0 =	vand.u32 $0x7FF00, v63  }
0x4a: {  	v0 =	vsel vm2, $0xFFFFFF00, v0;
	v2 =	vand.u32 $0xFFFFFF00, v1;
	v1 =	vshll.u32 v1, $0x7  }
0x4b: {  	v0 =	vadd.s32 v2, v0;
	v1 =	vand.u32 $0x80, v1  }
0x4c: {  	v0 =	vor.u32 v1, v0  }
0x4d: {  	v0 =	vshrl.u32 v0, $0x3;
	_ =	sdelay $0x3  }
0x4e: {  	s16 =	sadd.s32 $0x800, s17  }
0x4f: {  	[tilespmem:s16], [sflag:$0x1] =	stream.indirect_vreg.gather [hbm:s5], $0x80, v0, vm0, $0x38;
	[tilespmem:$0x50A0] =	vst v63  }
0x50: {  	s16 =	sadd.s32 $0x400, s16  }
0x51: {  	[tilespmem:s16], [sflag:$0x1] =	stream.indirect_vreg.gather [hbm:s5], $0x80, v0, vm1, $0x38;
	[tilespmem:$0x50A0] =	vst v63  }
0x52: {  	s13 =	sshll.u32 s13, $0x4;
	_ =	swait.ge [sflag:s6], $0x2800  }
0x53: {  	s13 =	sadd.s32 s13, s4;
	[sflag:s6] =	ssyncset.done $0x0  }
0x54: {  	s17 =	sadd.s32 $0x0, s13;
	s16 =	simm.s32 $0x80;
	[sflag:s6] =	ssyncadd.s32 $0xFFFFD800  }
.LBB2_5:
0x55: {  	[hbm:s17] =	stream.linear.scatter [tilespmem:s14], [sflag:$0x3], $0x400, $0x38;
	[tilespmem:$0x50A0] =	vst v63  }
0x56: {  	s17 =	smov.u32 s16;
	s14 =	smov.u32 s15;
	p1 =	sne.s32 s16, $0x480  }
.Ltmp4:
0x57: {  	s16 =	sadd.s32 $0x80, s16;
	(pc) =	sbr.rel @p1 .LBB2_5-.Ltmp4, $2  }
0x58: {  	_ =	sdelay $0x2  }
0x59: {  	s15 =	sadd.s32 $0x400, s15;
	s17 =	sadd.s32 s17, s13  }
.Ltmp5:
0x5a: {  	_ = 	snop;
	(pc) =	sbr.rel .LBB2_6-.Ltmp5, $1  }
0x5b: {  	_ =	sdelay $0x3  }
.LBB2_8:
0x5c: {  	_ =	sfence.sel $0x180000  }
0x5d: {  	s2 =	simm.s32 $0x2;
	[bflag:$0x0] =	sbarrier.arrive $0xFFFF  }
0x5e: {  	s30 =	simm.s32 $0x3;
	[sflag:s2] =	ssyncpa.u1 $0x1  }
0x5f: {  	s31 =	simm.s32 $0x1;
	[sflag:s30] =	ssyncpa.u1 $0x1  }
0x60: {  	[sflag:s31] =	ssyncpa.u1 $0x1  }
0x61: {  	p0 =	sne.s32 s0, $0x0;
	_ =	strace $0x90000050  }
0x62: {  	s0 =	sadd.s32 @!p0 $0x100000, s1;
	[bflag:$0x2] =	sbarrier.arrive $0xFFFF  }
0x63: {  	[sflag:s0] =	ssyncadd.tile.s32 @!p0 $0x1;
	_ =	shalt  }
.Lfunc_end2:
_tile_overlayer_lowered:
.L_overlay_start_2:
0x64: {  	(tag) =	ssettag $0x2  }
0x65: {  	s0 =	rddreg [dreg:$0x0];
	s2 =	stileid.u32  }
0x66: {  	s1 =	rddreg [dreg:$0x1];
	p0 =	sne.s32 s2, $0x0  }
0x67: {  	s3 =	rddreg [dreg:$0x2];
	[bflag:$0x3] =	sbarrier.arrive $0xFFFF;
	s2 =	simm.s32 @!p0 $0x1C01  }
0x68: {  	[timem:s3], [sflag:s2] =	dma.local @!p0 [hbm:s0], s1  }
0x69: {  	s0 =	simm.s32 @!p0 $0x1  }
0x6a: {  	_ =	swait.ge @!p0 [sflag:s0], s1  }
0x6b: {  	s1 =	ssub.s32 @!p0 $0x0, s1;
	[sflag:s0] =	ssyncset.done @!p0 $0x0  }
0x6c: {  	[sflag:s0] =	ssyncadd.s32 @!p0 s1  }
0x6d: {  	[bflag:$0x3] =	sbarrier.arrive $0xFFFF  }
0x6e: {  	_ =	shalt  }

// kernel: gather_offload_async_start.6
scs
__scs_entry_jumppad:
0x0: {  	(pc) =	sbr.rel $0x88, $3  }
0x1: {  	(tag) =	ssettag $0x0;
	lr =	simm.s32 $0x1  }
0x2: {  	[smem:$0x3F9E] =	sst lr;
	_ =	strace $0xD0000000  }
0x3: {  	_ = 	snop  }
0x4: {  	_ = 	snop  }
0x5: {  	_ = 	snop  }
0x6: {  	_ = 	snop  }
0x7: {  	_ = 	snop  }
__scs_overlays_trampoline_lowered:
0x8: {  	[smem:$0x3FAD] =	sst s0  }
0x9: {  	[smem:$0x3FAE] =	sst s1  }
0xa: {  	[smem:$0x3FAF] =	sst s2  }
0xb: {  	[smem:$0x3FB0] =	sst s3  }
0xc: {  	[smem:$0x3FB1] =	sst s4  }
0xd: {  	[smem:$0x3FB2] =	sst s5  }
0xe: {  	[smem:$0x3FB3] =	sst s6  }
0xf: {  	[smem:$0x3FB4] =	sst s7  }
0x10: {  	[smem:$0x3FB5] =	sst s8  }
0x11: {  	[smem:$0x3FB6] =	sst s9;
	s0 =	simm.s32 @!p0 $0x0  }
0x12: {  	s1 =	sld [smem:$0x3F9C];
	s0 =	simm.s32 @p0 $0x1  }
0x13: {  	[smem:$0x3FB7] =	sst s0;
	s0 =	simm.s32 @!p1 $0x0  }
0x14: {  	s2 =	sld [smem:$0x3F9B];
	s0 =	simm.s32 @p1 $0x1  }
0x15: {  	[smem:$0x3FB8] =	sst s0;
	s0 =	simm.s32 @!p2 $0x0  }
0x16: {  	s3 =	sld [smem:$0x3FDB];
	s0 =	simm.s32 @p2 $0x1  }
0x17: {  	s4 =	simm.s32 $0x1BF5;
	[smem:$0x3FBA] =	sst s0  }
0x18: {  	s0 =	sld [smem:$0x3F9D];
	_ =	swait.ge [sflag:s4], $0x0  }
0x19: {  	s7 =	sld [smem:$0x3F9E]  }
0x1a: {  	s8 =	sadd.s32 $0xFFFFE003, lr  }
0x1b: {  	s9 =	sadd.s32 $0xFFFFFEF7, lr;
	s5 =	simm.s32 $0xFFFFFFFF;
	p2 =	slt.u32 s8, $0xFFFFF086  }
0x1c: {  	p1 =	slt.u32 s9, $0xF7A;
	s5 =	simm.s32 @!p2 $0x0  }
0x1d: {  	s5 =	simm.s32 @p1 $0x1;
	p0 =	seq.s32 s7, s2  }
0x1e: {  	s7 =	smul.u32 @!p0 $0xF7A, s2;
	p2 =	seq.s32 @!p0 s5, $0x0  }
0x1f: {  	s9 =	smul.u32 $0xF7A, s1;
	s8 =	simm.s32 @!p0 $0x1BF5;
	p2 =	por !p2, p0  }
0x20: {  	[sflag:s8] =	ssyncset.s32 @!p0 $0xFFFFF086;
	s6 =	sadd.s32 @!p0 s3, s7;
	s7 =	simm.s32 @!p0 $0x108  }
0x21: {  	s3 =	sadd.s32 s3, s9;
	s6 =	sadd.s32 @!p0 $0x88, s6;
	s7 =	simm.s32 @p2 $0x1082  }
0x22: {  	[simem:s7], [sflag:s8] =	dma.local @!p0 [hbm:s6], $0xF7A  }
0x23: {  	s9 =	sor.u32 $0xD0000000, s2;
	s6 =	simm.s32 $0x108;
	_ =	swait.ge @!p0 [sflag:s8], $0x0  }
0x24: {  	s3 =	sadd.s32 $0x88, s3;
	s6 =	simm.s32 @!p1 $0x1082;
	[sflag:s4] =	ssyncset.s32 $0xFFFFF086  }
0x25: {  	[simem:s6], [sflag:s4] =	dma.local [hbm:s3], $0xF7A  }
0x26: {  	[smem:$0x3F9E] =	sst s1;
	(tag) =	ssettag s2;
	_ =	strace s9  }
0x27: {  	s1 =	sld [smem:$0x3FAE]  }
0x28: {  	s2 =	sld [smem:$0x3FAF]  }
0x29: {  	s4 =	sld [smem:$0x3FB1]  }
0x2a: {  	p0 =	seq.s32 s5, $0x0;
	s5 =	sld [smem:$0x3FB2]  }
0x2b: {  	s6 =	sld [smem:$0x3FB3]  }
0x2c: {  	s7 =	sld [smem:$0x3FB4]  }
0x2d: {  	s3 =	simm.s32 $0x108;
	s8 =	sld [smem:$0x3FB5]  }
0x2e: {  	s3 =	simm.s32 @!p0 $0x1082;
	s9 =	sld [smem:$0x3FB6]  }
0x2f: {  	lr =	sadd.s32 s0, s3;
	s0 =	sld [smem:$0x3FAD]  }
0x30: {  	s3 =	sld [smem:$0x3FB0]  }
0x31: {  	[smem:$0x3FB9] =	sst s10  }
0x32: {  	s10 =	sld [smem:$0x3FB7];
	_ =	sdelay $0x3  }
0x33: {  	p0 =	seq.s32 s10, $0x1;
	s10 =	sld [smem:$0x3FB9];
	_ =	sdelay $0x3  }
0x34: {  	[smem:$0x3FB9] =	sst s10  }
0x35: {  	s10 =	sld [smem:$0x3FB8];
	_ =	sdelay $0x3  }
0x36: {  	p1 =	seq.s32 s10, $0x1;
	s10 =	sld [smem:$0x3FB9];
	_ =	sdelay $0x3  }
0x37: {  	[smem:$0x3FB9] =	sst s10  }
0x38: {  	s10 =	sld [smem:$0x3FBA]  }
0x39: {  	_ = 	snop;
	(pc) =	sbr.ind lr, $3  }
0x3a: {  	_ = 	snop  }
0x3b: {  	_ = 	snop  }
0x3c: {  	p2 =	seq.s32 s10, $0x1;
	s10 =	sld [smem:$0x3FB9]  }
0x3d: {  	_ =	shalt  }
0x3e: {  	_ =	shalt  }
0x3f: {  	_ =	shalt  }
0x40: {  	_ =	shalt  }
0x41: {  	_ =	shalt  }
0x42: {  	_ =	shalt  }
0x43: {  	_ =	shalt  }
0x44: {  	_ =	shalt  }
0x45: {  	_ =	shalt  }
0x46: {  	_ =	shalt  }
0x47: {  	_ =	shalt  }
0x48: {  	_ =	shalt  }
0x49: {  	_ =	shalt  }
0x4a: {  	_ =	shalt  }
0x4b: {  	_ =	shalt  }
0x4c: {  	_ =	shalt  }
0x4d: {  	_ =	shalt  }
0x4e: {  	_ =	shalt  }
0x4f: {  	_ =	shalt  }
0x50: {  	_ =	shalt  }
0x51: {  	_ =	shalt  }
0x52: {  	_ =	shalt  }
0x53: {  	_ =	shalt  }
0x54: {  	_ =	shalt  }
0x55: {  	_ =	shalt  }
0x56: {  	_ =	shalt  }
0x57: {  	_ =	shalt  }
0x58: {  	_ =	shalt  }
0x59: {  	_ =	shalt  }
0x5a: {  	_ =	shalt  }
0x5b: {  	_ =	shalt  }
0x5c: {  	_ =	shalt  }
0x5d: {  	_ =	shalt  }
0x5e: {  	_ =	shalt  }
0x5f: {  	_ =	shalt  }
0x60: {  	_ =	shalt  }
0x61: {  	_ =	shalt  }
0x62: {  	_ =	shalt  }
0x63: {  	_ =	shalt  }
0x64: {  	_ =	shalt  }
0x65: {  	_ =	shalt  }
0x66: {  	_ =	shalt  }
0x67: {  	_ =	shalt  }
0x68: {  	_ =	shalt  }
0x69: {  	_ =	shalt  }
0x6a: {  	_ =	shalt  }
0x6b: {  	_ =	shalt  }
0x6c: {  	_ =	shalt  }
0x6d: {  	_ =	shalt  }
0x6e: {  	_ =	shalt  }
0x6f: {  	_ =	shalt  }
0x70: {  	_ =	shalt  }
0x71: {  	_ =	shalt  }
0x72: {  	_ =	shalt  }
0x73: {  	_ =	shalt  }
0x74: {  	_ =	shalt  }
0x75: {  	_ =	shalt  }
0x76: {  	_ =	shalt  }
0x77: {  	_ =	shalt  }
0x78: {  	_ =	shalt  }
0x79: {  	_ =	shalt  }
0x7a: {  	_ =	shalt  }
0x7b: {  	_ =	shalt  }
0x7c: {  	_ =	shalt  }
0x7d: {  	_ =	shalt  }
0x7e: {  	_ =	shalt  }
0x7f: {  	_ =	shalt  }
0x80: {  	_ =	shalt  }
0x81: {  	_ =	shalt  }
0x82: {  	_ =	shalt  }
0x83: {  	_ =	shalt  }
0x84: {  	_ =	shalt  }
0x85: {  	_ =	shalt  }
0x86: {  	_ =	shalt  }
0x87: {  	_ =	shalt  }
.Lfunc_end0:
.L_simem_size_0:
called_computation.6_lowered:
.L_overlay_start_0:
0x88: {  	s0 =	sld [smem:$0x3FD9]  }
0x89: {  	s1 =	sld [smem:$0x3FFE];
	_ =	sdelay $0x3  }
0x8a: {  	s0 =	sadd.s32 s1, s0  }
0x8b: {  	[smem:$0x3FC5] =	sst s0  }
0x8c: {  	_ = 	snop  }
0x8d: {  	s0 =	sld [smem:$0x3FD0];
	(tm) =	ssettm $0x1  }
0x8e: {  	s16 =	sld [smem:$0x3FFB];
	_ =	sdelay $0x3  }
0x8f: {  	_ =	strace s16  }
0x90: {  	s1 =	sld [smem:$0x3FFC];
	_ =	sdelay $0x3  }
0x91: {  	_ =	strace s1  }
0x92: {  	s1 =	sld [smem:$0x3FFD];
	_ =	sdelay $0x3  }
0x93: {  	_ =	strace s1  }
0x94: {  	_ =	strace $0x8FFFFFFF  }
0x95: {  	s17 =	sld [smem:$0x3FDB];
	_ =	sdelay $0x1  }
0x96: {  	s2 =	simm.s32 $_scs_section_size  }
0x97: {  	s3 =	simm.s32 $_size__tile_overlayer_lowered;
	s4 =	simm.s32 $_tile_overlayer_lowered  }
0x98: {  	s20 =	simm.s32 $0x1BFF;
	s19 =	sshll.u32 s4, $0x1;
	s1 =	sadd.s32 s2, s17  }
0x99: {  	s5 =	simm.s32 $0x0;
	s18 =	sshll.u32 s3, $0x1;
	s3 =	sadd.s32 s19, s1  }
0x9a: {  	[timem:s5], [sflag:s20] =	dma.local [hbm:s3], s18  }
0x9b: {  	_ =	swait.ge [sflag:s20], s18  }
0x9c: {  	s2 =	ssub.s32 $0x0, s18;
	[sflag:s20] =	ssyncset.done $0x0  }
0x9d: {  	[sflag:s20] =	ssyncadd.s32 s2;
	_ =	sdelay $0x1  }
0x9e: {  	s21 =	simm.s32 $0x1B8B  }
0x9f: {  	_ =	swait.ge [sflag:s21], $0x1  }
0xa0: {  	[sflag:s21] =	ssyncset.done $0x0  }
0xa1: {  	s23 =	simm.s32 $0x1B8E;
	s22 =	sld [smem:$0x3FFE];
	[sflag:s21] =	ssyncadd.s32 $0xFFFFFFFF  }
0xa2: {  	s24 =	simm.s32 $execute0_lowered;
	[smem:$0x3FD2] =	sst s23  }
0xa3: {  	s3 =	sshll.u32 s24, $0x1;
	_ =	strace $0x80000058;
	[dreg:$0x1] =	wrdreg $0xFFFFFFFF  }
0xa4: {  	s25 =	simm.s32 $_size_execute0_lowered;
	s1 =	sadd.s32 s1, s3;
	[dreg:$0x0] =	wrdreg $0x0  }
0xa5: {  	s3 =	sshll.u32 s25, $0x1;
	[dreg:$0x2] =	wrdreg s1  }
0xa6: {  	[dreg:$0x3] =	wrdreg s3  }
0xa7: {  	[dreg:$0x4] =	wrdreg $0xC0  }
0xa8: {  	_ =	task [dreg:s5], $0x5FFFF  }
0xa9: {  	[dreg:$0x1] =	wrdreg $0xFFFFFFFF  }
0xaa: {  	[dreg:$0x0] =	wrdreg $0x60  }
0xab: {  	[dreg:$0x2] =	wrdreg s22  }
0xac: {  	[dreg:$0x3] =	wrdreg s0  }
0xad: {  	[dreg:$0x4] =	wrdreg $0x9  }
0xae: {  	_ =	task.clear_ibuf [dreg:s5], $0x5FFFF;
	_ =	strace $0x90000058  }
0xaf: {  	s26 =	simm.s32 $0x9;
	_ =	strace $0x8000005A  }
0xb0: {  	_ =	swait.ge [sflag:s26], $0x1  }
0xb1: {  	[sflag:s26] =	ssyncadd.s32 $0xFFFFFFFF  }
0xb2: {  	_ =	strace $0x9000005A  }
0xb3: {  	_ =	sfence  }
0xb4: {  	s28 =	sld [smem:$0x0];
	_ =	sdelay $0x1  }
0xb5: {  	s29 =	srdreg.scid  }
0xb6: {  	s30 =	sshll.u32 s29, $0xD;
	s31 =	sshrl.u32 s29, $0x2  }
0xb7: {  	s2 =	sand.u32 $0x4000, s30;
	s1 =	sand.u32 $0x1, s29;
	s0 =	sadd.s32 s31, s28  }
0xb8: {  	s1 =	sor.u32 s2, s1;
	s0 =	sshll.u32 s0, $0x11  }
0xb9: {  	s0 =	sor.u32 s0, s1  }
0xba: {  	s0 =	sadd.s32 $0x8F2B, s0  }
0xbb: {  	[sflag:s0] =	ssyncadd.remote.s32 $0x1  }
0xbc: {  	_ =	sfence.sel $0xFFFF  }
0xbd: {  	[dreg:$0x0] =	wrdreg $0xFFFFFFFF;
	(pc) =	sbr.abs _section_cstart, $3  }
0xbe: {  	[dreg:$0x1] =	wrdreg $0xFFFFFFFF  }
0xbf: {  	_ =	task.clear_ibuf [dreg:s5], $0x2FFFF;
	_ =	strace $0x9FFFFFFF  }
0xc0: {  	(tm) =	ssettm $0x7FFFFFFF  }
0xc1: {  	_ =	shalt  }
tec
execute0_lowered:
.L_overlay_start_1:
0x0: {  	(tag) =	ssettag $0x1  }
0x1: {  	s0 =	stileid.u32  }
0x2: {  	s1 =	smin.u32 s0, $0x9  }
0x3: {  	s1 =	sadd.s32 s0, s1  }
0x4: {  	s2 =	simm.s32 $0xA0;
	p0 =	slt.u32 s0, $0x9;
	s1 =	smul.u32 $0x50, s1  }
0x5: {  	s2 =	simm.s32 @!p0 $0x50  }
0x6: {  	s2 =	sadd.s32 s2, s1  }
0x7: {  	s3 =	smin.u32 s2, $0x7D0  }
0x8: {  	s7 =	ssub.s32 s3, s1  }
0x9: {  	p0 =	sgt.s32 s7, $0x0  }
0xa: {  	s7 =	simm.s32 @!p0 $0x0  }
0xb: {  	s4 =	rddreg [dreg:$0x0];
	s31 =	smul.u32 $0xCCCD, s7  }
0xc: {  	s5 =	rddreg [dreg:$0x1]  }
0xd: {  	s6 =	simm.s32 $0x1;
	s10 =	simm.s32 $0x3;
	s8 =	sshrl.u32 s31, $0x16  }
0xe: {  	s13 =	simm.s32 $0x0;
	s12 =	simm.s32 $0x0;
	s9 =	smul.u32 $0x50, s8  }
.Ltmp0:
0xf: {  	s11 =	smov.u32 s1;
	s2 =	rddreg [dreg:$0x2];
	(pc) =	sbr.rel .LBB2_1-.Ltmp0, $4  }
0x10: {  	_ =	strace $0x80000059;
	p0 =	sne.s32 s7, s9;
	s9 =	simm.s32 $0x1  }
0x11: {  	[sflag:s6] =	ssyncpa.u1 $0x0;
	s7 =	simm.s32 $0x2;
	s9 =	simm.s32 @!p0 $0x0  }
0x12: {  	[sflag:s7] =	ssyncpa.u1 $0x0;
	p0 =	por $0x0, $0x0;
	s8 =	sadd.s32 s8, s9  }
0x13: {  	v0 =	vimm.s32 $0x0;
	vm0 =	vmmov $0xff;
	vm1 =	vcmask $0x3F20;
	s9 =	sadd.s32 $0x28000, s4;
	[sflag:s10] =	ssyncpa.u1 $0x0;
	s10 =	sadd.s32 $0x1, s8  }
.LBB2_6:
0x14: {  	[hbm:s17] =	stream.linear.scatter [tilespmem:s14], [sflag:$0x3], $0x400, $0x38;
	[tilespmem:$0x50A0] =	vst v63  }
.LBB2_7:
0x15: {  	s13 =	sadd.s32 $0x50, s11  }
0x16: {  	s15 =	smov.u32 s1;
	p2 =	slt.s32 s13, s3  }
0x17: {  	s15 =	smov.u32 @p2 s13;
	p2 =	sne.s32 s12, s10  }
.Ltmp1:
0x18: {  	p1 =	slt.u32 s12, $0x2;
	(pc) =	sbr.rel @!p2 .LBB2_8-.Ltmp1, $4  }
0x19: {  	s14 =	simm.s32 @!p1 $0x3  }
0x1a: {  	s16 =	sadd.s32 $0x1, s12;
	_ =	swait.ge @!p1 [sflag:s14], $0x2800  }
0x1b: {  	p0 =	por !p0, !p0;
	s13 =	smov.u32 s11;
	[sflag:s14] =	ssyncset.done @!p1 $0x0  }
0x1c: {  	s12 =	smov.u32 s16;
	s11 =	smov.u32 s15;
	[sflag:s14] =	ssyncadd.s32 @!p1 $0xFFFFD800  }
.LBB2_1:
0x1d: {  	p1 =	sge.u32 s12, s8  }
0x1e: {  	s14 =	sxor.u32 @!p1 $0xFFFFFFFF, s12  }
0x1f: {  	s14 =	sand.u32 @!p1 $0x1, s14  }
0x20: {  	s14 =	smul.u32 @!p1 $0x140, s14  }
0x21: {  	s31 =	sadd.s32 $0xFFFFFFFF, s12;
	s15 =	sshrl.u32 @!p1 s11, $0x3  }
0x22: {  	s16 =	sand.u32 @!p1 $0x7, s11;
	s15 =	sadd.s32 @!p1 s5, s15;
	s14 =	sshrl.u32 @!p1 s14, $0x2  }
0x23: {  	[tilespmem:s14], [sflag:$0x2] =	stream.linear.gather @!p1 [hbm4b:s15+s16], $0x50, $0x38;
	[tilespmem:$0x50A0] =	vst v63  }
0x24: {  	p1 =	sge.u32 s31, s8  }
.Ltmp2:
0x25: {  	_ = 	snop;
	(pc) =	sbr.rel @p1 .LBB2_7-.Ltmp2, $1  }
0x26: {  	_ =	sdelay $0x3  }
0x27: {  	s14 =	simm.s32 $0x1  }
0x28: {  	s14 =	simm.s32 @!p0 $0x0  }
0x29: {  	s15 =	smul.u32 $0x140, s14  }
0x2a: {  	_ =	swait.ge [sflag:s7], $0x50  }
0x2b: {  	[sflag:s7] =	ssyncset.done $0x0;
	s16 =	sshrl.u32 s15, $0x2  }
0x2c: {  	[sflag:s7] =	ssyncadd.s32 $0xFFFFFFB0;
	s15 =	sadd.s32 $0x0, s16  }
0x2d: {  	v1 =	vld.msk [tilespmem:s15+$0x0 ss:$0x1], $0xffff;
	_ =	sdelay $0x4  }
0x2e: {  	v2 =	vand.u32 $0x1, v1;
	v3 =	vshll.u32 v1, $0x6  }
0x2f: {  	vm2 =	veq.s32 v1, $0x80000000;
	vm3 =	veq.s32 v2, $0x1;
	v1 =	vand.u32 $0xFFF80, v3  }
0x30: {  	v2 =	vsel vm3, $0xA0000, v0;
	v1 =	vsel vm2, $0xFFFFFF80, v1  }
0x31: {  	v2 =	vsel vm2, $0xFFF60000, v2;
	v3 =	vand.u32 $0xFFFFFC00, v1  }
0x32: {  	v1 =	vand.u32 $0x380, v1;
	v2 =	vadd.s32 v2, v3  }
0x33: {  	v1 =	vor.u32 v1, v2  }
0x34: {  	v1 =	vshrl.u32 v1, $0x3  }
0x35: {  	s14 =	smul.u32 $0xA000, s14;
	_ =	sdelay $0x1  }
0x36: {  	s14 =	sshrl.u32 s14, $0x2  }
0x37: {  	s14 =	sor.u32 $0xA0, s14  }
0x38: {  	[tilespmem:s14], [sflag:$0x1] =	stream.indirect_vreg.gather [hbm:s4], $0x80, v1, vm0, $0x38;
	[tilespmem:$0x50A0] =	vst v63  }
0x39: {  	s17 =	sadd.s32 $0x10, s16;
	s15 =	sadd.s32 $0x400, s14  }
0x3a: {  	[tilespmem:s15], [sflag:$0x1] =	stream.indirect_vreg.gather [hbm:s4], $0x80, v1, vm1, $0x38;
	[tilespmem:$0x50A0] =	vst v63  }
0x3b: {  	s18 =	simm.s32 $0x80;
	v1 =	vld.msk [tilespmem:s17+$0x0 ss:$0x1], $0xffff;
	s17 =	smov.u32 s14  }
.LBB2_3:
0x3c: {  	p1 =	sne.s32 s18, $0x100;
	_ =	sdelay $0x4  }
0x3d: {  	v2 =	vand.u32 $0x1, v1;
	v3 =	vshll.u32 v1, $0x6  }
0x3e: {  	vm2 =	veq.s32 v1, $0x80000000;
	vm3 =	veq.s32 v2, $0x1;
	v1 =	vand.u32 $0xFFF80, v3  }
0x3f: {  	v2 =	vsel vm3, $0xA0000, v0;
	v1 =	vsel vm2, $0xFFFFFF80, v1  }
0x40: {  	v2 =	vsel vm2, $0xFFF60000, v2;
	v3 =	vand.u32 $0xFFFFFC00, v1  }
0x41: {  	v1 =	vand.u32 $0x380, v1;
	v2 =	vadd.s32 v2, v3  }
0x42: {  	v1 =	vor.u32 v1, v2  }
0x43: {  	v1 =	vshrl.u32 v1, $0x3;
	_ =	sdelay $0x3  }
.Ltmp3:
0x44: {  	s19 =	sshra.s32 s18, $0x2;
	s17 =	sadd.s32 $0x800, s17;
	(pc) =	sbr.rel @p1 .LBB2_3-.Ltmp3, $4  }
0x45: {  	[tilespmem:s17], [sflag:$0x1] =	stream.indirect_vreg.gather [hbm:s4], $0x80, v1, vm0, $0x38;
	[tilespmem:$0x50A0] =	vst v63  }
0x46: {  	s19 =	sadd.s32 s19, s16;
	s20 =	sadd.s32 $0x400, s17  }
0x47: {  	[tilespmem:s20], [sflag:$0x1] =	stream.indirect_vreg.gather [hbm:s4], $0x80, v1, vm1, $0x38;
	[tilespmem:$0x50A0] =	vst v63  }
0x48: {  	s18 =	sadd.s32 $0x40, s18;
	v1 =	vld.msk [tilespmem:s19+$0x0 ss:$0x1], $0xffff  }
0x49: {  	_ =	sdelay $0x3  }
0x4a: {  	v2 =	vand.u32 $0x1, v1;
	v3 =	vshll.u32 v1, $0x6  }
0x4b: {  	vm2 =	veq.s32 v1, $0x80000000;
	vm3 =	veq.s32 v2, $0x1;
	v1 =	vand.u32 $0xFFF80, v3  }
0x4c: {  	v2 =	vsel vm3, $0xA0000, v0;
	v1 =	vsel vm2, $0xFFFFFF80, v1  }
0x4d: {  	v2 =	vsel vm2, $0xFFF60000, v2;
	v3 =	vand.u32 $0xFFFFFC00, v1  }
0x4e: {  	v1 =	vand.u32 $0x380, v1;
	v2 =	vadd.s32 v2, v3  }
0x4f: {  	v1 =	vor.u32 v1, v2  }
0x50: {  	v1 =	vshrl.u32 v1, $0x3;
	_ =	sdelay $0x3  }
0x51: {  	s16 =	sadd.s32 $0x800, s17  }
0x52: {  	[tilespmem:s16], [sflag:$0x1] =	stream.indirect_vreg.gather [hbm:s4], $0x80, v1, vm0, $0x38;
	[tilespmem:$0x50A0] =	vst v63  }
0x53: {  	s16 =	sadd.s32 $0x400, s16  }
0x54: {  	[tilespmem:s16], [sflag:$0x1] =	stream.indirect_vreg.gather [hbm:s4], $0x80, v1, vm1, $0x38;
	[tilespmem:$0x50A0] =	vst v63  }
0x55: {  	s13 =	sshll.u32 s13, $0x4;
	_ =	swait.ge [sflag:s6], $0x2800  }
0x56: {  	s13 =	sadd.s32 s13, s9;
	[sflag:s6] =	ssyncset.done $0x0  }
0x57: {  	s17 =	sadd.s32 $0x0, s13;
	s16 =	simm.s32 $0x80;
	[sflag:s6] =	ssyncadd.s32 $0xFFFFD800  }
.LBB2_5:
0x58: {  	[hbm:s17] =	stream.linear.scatter [tilespmem:s14], [sflag:$0x3], $0x400, $0x38;
	[tilespmem:$0x50A0] =	vst v63  }
0x59: {  	s17 =	smov.u32 s16;
	s14 =	smov.u32 s15;
	p1 =	sne.s32 s16, $0x480  }
.Ltmp4:
0x5a: {  	s16 =	sadd.s32 $0x80, s16;
	(pc) =	sbr.rel @p1 .LBB2_5-.Ltmp4, $2  }
0x5b: {  	_ =	sdelay $0x2  }
0x5c: {  	s15 =	sadd.s32 $0x400, s15;
	s17 =	sadd.s32 s17, s13  }
.Ltmp5:
0x5d: {  	_ = 	snop;
	(pc) =	sbr.rel .LBB2_6-.Ltmp5, $1  }
0x5e: {  	_ =	sdelay $0x3  }
.LBB2_8:
0x5f: {  	_ =	sfence.sel $0x180000  }
0x60: {  	s1 =	simm.s32 $0x2;
	[bflag:$0x0] =	sbarrier.arrive $0xFFFF  }
0x61: {  	s30 =	simm.s32 $0x3;
	[sflag:s1] =	ssyncpa.u1 $0x1  }
0x62: {  	s31 =	simm.s32 $0x1;
	[sflag:s30] =	ssyncpa.u1 $0x1  }
0x63: {  	[sflag:s31] =	ssyncpa.u1 $0x1  }
0x64: {  	p0 =	sne.s32 s0, $0x0;
	_ =	strace $0x90000059  }
0x65: {  	s0 =	sadd.s32 @!p0 $0x100000, s2;
	[bflag:$0x2] =	sbarrier.arrive $0xFFFF  }
0x66: {  	[sflag:s0] =	ssyncadd.tile.s32 @!p0 $0x1;
	_ =	shalt  }
.Lfunc_end2:
_tile_overlayer_lowered:
.L_overlay_start_2:
0x67: {  	(tag) =	ssettag $0x2  }
0x68: {  	s0 =	rddreg [dreg:$0x0];
	s2 =	stileid.u32  }
0x69: {  	s1 =	rddreg [dreg:$0x1];
	p0 =	sne.s32 s2, $0x0  }
0x6a: {  	s3 =	rddreg [dreg:$0x2];
	[bflag:$0x3] =	sbarrier.arrive $0xFFFF;
	s2 =	simm.s32 @!p0 $0x1C01  }
0x6b: {  	[timem:s3], [sflag:s2] =	dma.local @!p0 [hbm:s0], s1  }
0x6c: {  	s0 =	simm.s32 @!p0 $0x1  }
0x6d: {  	_ =	swait.ge @!p0 [sflag:s0], s1  }
0x6e: {  	s1 =	ssub.s32 @!p0 $0x0, s1;
	[sflag:s0] =	ssyncset.done @!p0 $0x0  }
0x6f: {  	[sflag:s0] =	ssyncadd.s32 @!p0 s1  }
0x70: {  	[bflag:$0x3] =	sbarrier.arrive $0xFFFF  }
0x71: {  	_ =	shalt  }

// kernel: gather_offload_async_start
scs
__scs_entry_jumppad:
0x0: {  	(pc) =	sbr.rel $0x88, $3  }
0x1: {  	(tag) =	ssettag $0x0;
	lr =	simm.s32 $0x1  }
0x2: {  	[smem:$0x3F9E] =	sst lr;
	_ =	strace $0xD0000000  }
0x3: {  	_ = 	snop  }
0x4: {  	_ = 	snop  }
0x5: {  	_ = 	snop  }
0x6: {  	_ = 	snop  }
0x7: {  	_ = 	snop  }
__scs_overlays_trampoline_lowered:
0x8: {  	[smem:$0x3FAD] =	sst s0  }
0x9: {  	[smem:$0x3FAE] =	sst s1  }
0xa: {  	[smem:$0x3FAF] =	sst s2  }
0xb: {  	[smem:$0x3FB0] =	sst s3  }
0xc: {  	[smem:$0x3FB1] =	sst s4  }
0xd: {  	[smem:$0x3FB2] =	sst s5  }
0xe: {  	[smem:$0x3FB3] =	sst s6  }
0xf: {  	[smem:$0x3FB4] =	sst s7  }
0x10: {  	[smem:$0x3FB5] =	sst s8  }
0x11: {  	[smem:$0x3FB6] =	sst s9;
	s0 =	simm.s32 @!p0 $0x0  }
0x12: {  	s1 =	sld [smem:$0x3F9C];
	s0 =	simm.s32 @p0 $0x1  }
0x13: {  	[smem:$0x3FB7] =	sst s0;
	s0 =	simm.s32 @!p1 $0x0  }
0x14: {  	s2 =	sld [smem:$0x3F9B];
	s0 =	simm.s32 @p1 $0x1  }
0x15: {  	[smem:$0x3FB8] =	sst s0;
	s0 =	simm.s32 @!p2 $0x0  }
0x16: {  	s3 =	sld [smem:$0x3FDB];
	s0 =	simm.s32 @p2 $0x1  }
0x17: {  	s4 =	simm.s32 $0x1BF5;
	[smem:$0x3FBA] =	sst s0  }
0x18: {  	s0 =	sld [smem:$0x3F9D];
	_ =	swait.ge [sflag:s4], $0x0  }
0x19: {  	s7 =	sld [smem:$0x3F9E]  }
0x1a: {  	s8 =	sadd.s32 $0xFFFFE003, lr  }
0x1b: {  	s9 =	sadd.s32 $0xFFFFFEF7, lr;
	s5 =	simm.s32 $0xFFFFFFFF;
	p2 =	slt.u32 s8, $0xFFFFF086  }
0x1c: {  	p1 =	slt.u32 s9, $0xF7A;
	s5 =	simm.s32 @!p2 $0x0  }
0x1d: {  	s5 =	simm.s32 @p1 $0x1;
	p0 =	seq.s32 s7, s2  }
0x1e: {  	s7 =	smul.u32 @!p0 $0xF7A, s2;
	p2 =	seq.s32 @!p0 s5, $0x0  }
0x1f: {  	s9 =	smul.u32 $0xF7A, s1;
	s8 =	simm.s32 @!p0 $0x1BF5;
	p2 =	por !p2, p0  }
0x20: {  	[sflag:s8] =	ssyncset.s32 @!p0 $0xFFFFF086;
	s6 =	sadd.s32 @!p0 s3, s7;
	s7 =	simm.s32 @!p0 $0x108  }
0x21: {  	s3 =	sadd.s32 s3, s9;
	s6 =	sadd.s32 @!p0 $0x88, s6;
	s7 =	simm.s32 @p2 $0x1082  }
0x22: {  	[simem:s7], [sflag:s8] =	dma.local @!p0 [hbm:s6], $0xF7A  }
0x23: {  	s9 =	sor.u32 $0xD0000000, s2;
	s6 =	simm.s32 $0x108;
	_ =	swait.ge @!p0 [sflag:s8], $0x0  }
0x24: {  	s3 =	sadd.s32 $0x88, s3;
	s6 =	simm.s32 @!p1 $0x1082;
	[sflag:s4] =	ssyncset.s32 $0xFFFFF086  }
0x25: {  	[simem:s6], [sflag:s4] =	dma.local [hbm:s3], $0xF7A  }
0x26: {  	[smem:$0x3F9E] =	sst s1;
	(tag) =	ssettag s2;
	_ =	strace s9  }
0x27: {  	s1 =	sld [smem:$0x3FAE]  }
0x28: {  	s2 =	sld [smem:$0x3FAF]  }
0x29: {  	s4 =	sld [smem:$0x3FB1]  }
0x2a: {  	p0 =	seq.s32 s5, $0x0;
	s5 =	sld [smem:$0x3FB2]  }
0x2b: {  	s6 =	sld [smem:$0x3FB3]  }
0x2c: {  	s7 =	sld [smem:$0x3FB4]  }
0x2d: {  	s3 =	simm.s32 $0x108;
	s8 =	sld [smem:$0x3FB5]  }
0x2e: {  	s3 =	simm.s32 @!p0 $0x1082;
	s9 =	sld [smem:$0x3FB6]  }
0x2f: {  	lr =	sadd.s32 s0, s3;
	s0 =	sld [smem:$0x3FAD]  }
0x30: {  	s3 =	sld [smem:$0x3FB0]  }
0x31: {  	[smem:$0x3FB9] =	sst s10  }
0x32: {  	s10 =	sld [smem:$0x3FB7];
	_ =	sdelay $0x3  }
0x33: {  	p0 =	seq.s32 s10, $0x1;
	s10 =	sld [smem:$0x3FB9];
	_ =	sdelay $0x3  }
0x34: {  	[smem:$0x3FB9] =	sst s10  }
0x35: {  	s10 =	sld [smem:$0x3FB8];
	_ =	sdelay $0x3  }
0x36: {  	p1 =	seq.s32 s10, $0x1;
	s10 =	sld [smem:$0x3FB9];
	_ =	sdelay $0x3  }
0x37: {  	[smem:$0x3FB9] =	sst s10  }
0x38: {  	s10 =	sld [smem:$0x3FBA]  }
0x39: {  	_ = 	snop;
	(pc) =	sbr.ind lr, $3  }
0x3a: {  	_ = 	snop  }
0x3b: {  	_ = 	snop  }
0x3c: {  	p2 =	seq.s32 s10, $0x1;
	s10 =	sld [smem:$0x3FB9]  }
0x3d: {  	_ =	shalt  }
0x3e: {  	_ =	shalt  }
0x3f: {  	_ =	shalt  }
0x40: {  	_ =	shalt  }
0x41: {  	_ =	shalt  }
0x42: {  	_ =	shalt  }
0x43: {  	_ =	shalt  }
0x44: {  	_ =	shalt  }
0x45: {  	_ =	shalt  }
0x46: {  	_ =	shalt  }
0x47: {  	_ =	shalt  }
0x48: {  	_ =	shalt  }
0x49: {  	_ =	shalt  }
0x4a: {  	_ =	shalt  }
0x4b: {  	_ =	shalt  }
0x4c: {  	_ =	shalt  }
0x4d: {  	_ =	shalt  }
0x4e: {  	_ =	shalt  }
0x4f: {  	_ =	shalt  }
0x50: {  	_ =	shalt  }
0x51: {  	_ =	shalt  }
0x52: {  	_ =	shalt  }
0x53: {  	_ =	shalt  }
0x54: {  	_ =	shalt  }
0x55: {  	_ =	shalt  }
0x56: {  	_ =	shalt  }
0x57: {  	_ =	shalt  }
0x58: {  	_ =	shalt  }
0x59: {  	_ =	shalt  }
0x5a: {  	_ =	shalt  }
0x5b: {  	_ =	shalt  }
0x5c: {  	_ =	shalt  }
0x5d: {  	_ =	shalt  }
0x5e: {  	_ =	shalt  }
0x5f: {  	_ =	shalt  }
0x60: {  	_ =	shalt  }
0x61: {  	_ =	shalt  }
0x62: {  	_ =	shalt  }
0x63: {  	_ =	shalt  }
0x64: {  	_ =	shalt  }
0x65: {  	_ =	shalt  }
0x66: {  	_ =	shalt  }
0x67: {  	_ =	shalt  }
0x68: {  	_ =	shalt  }
0x69: {  	_ =	shalt  }
0x6a: {  	_ =	shalt  }
0x6b: {  	_ =	shalt  }
0x6c: {  	_ =	shalt  }
0x6d: {  	_ =	shalt  }
0x6e: {  	_ =	shalt  }
0x6f: {  	_ =	shalt  }
0x70: {  	_ =	shalt  }
0x71: {  	_ =	shalt  }
0x72: {  	_ =	shalt  }
0x73: {  	_ =	shalt  }
0x74: {  	_ =	shalt  }
0x75: {  	_ =	shalt  }
0x76: {  	_ =	shalt  }
0x77: {  	_ =	shalt  }
0x78: {  	_ =	shalt  }
0x79: {  	_ =	shalt  }
0x7a: {  	_ =	shalt  }
0x7b: {  	_ =	shalt  }
0x7c: {  	_ =	shalt  }
0x7d: {  	_ =	shalt  }
0x7e: {  	_ =	shalt  }
0x7f: {  	_ =	shalt  }
0x80: {  	_ =	shalt  }
0x81: {  	_ =	shalt  }
0x82: {  	_ =	shalt  }
0x83: {  	_ =	shalt  }
0x84: {  	_ =	shalt  }
0x85: {  	_ =	shalt  }
0x86: {  	_ =	shalt  }
0x87: {  	_ =	shalt  }
.Lfunc_end0:
.L_simem_size_0:
called_computation_lowered:
.L_overlay_start_0:
0x88: {  	s0 =	sld [smem:$0x3FD9]  }
0x89: {  	s1 =	sld [smem:$0x3FFE];
	_ =	sdelay $0x3  }
0x8a: {  	s0 =	sadd.s32 s1, s0  }
0x8b: {  	[smem:$0x3FC5] =	sst s0  }
0x8c: {  	_ = 	snop  }
0x8d: {  	s0 =	sld [smem:$0x3FD0];
	(tm) =	ssettm $0x1  }
0x8e: {  	s16 =	sld [smem:$0x3FFB];
	_ =	sdelay $0x3  }
0x8f: {  	_ =	strace s16  }
0x90: {  	s1 =	sld [smem:$0x3FFC];
	_ =	sdelay $0x3  }
0x91: {  	_ =	strace s1  }
0x92: {  	s1 =	sld [smem:$0x3FFD];
	_ =	sdelay $0x3  }
0x93: {  	_ =	strace s1  }
0x94: {  	_ =	strace $0x8FFFFFFF  }
0x95: {  	s17 =	sld [smem:$0x3FDB];
	_ =	sdelay $0x1  }
0x96: {  	s2 =	simm.s32 $_scs_section_size  }
0x97: {  	s3 =	simm.s32 $_size__tile_overlayer_lowered;
	s4 =	simm.s32 $_tile_overlayer_lowered  }
0x98: {  	s20 =	simm.s32 $0x1BFF;
	s19 =	sshll.u32 s4, $0x1;
	s1 =	sadd.s32 s2, s17  }
0x99: {  	s5 =	simm.s32 $0x0;
	s18 =	sshll.u32 s3, $0x1;
	s3 =	sadd.s32 s19, s1  }
0x9a: {  	[timem:s5], [sflag:s20] =	dma.local [hbm:s3], s18  }
0x9b: {  	_ =	swait.ge [sflag:s20], s18  }
0x9c: {  	s2 =	ssub.s32 $0x0, s18;
	[sflag:s20] =	ssyncset.done $0x0  }
0x9d: {  	[sflag:s20] =	ssyncadd.s32 s2;
	_ =	sdelay $0x1  }
0x9e: {  	s21 =	simm.s32 $0x1B8B  }
0x9f: {  	_ =	swait.ge [sflag:s21], $0x1  }
0xa0: {  	[sflag:s21] =	ssyncset.done $0x0  }
0xa1: {  	s23 =	simm.s32 $0x1B8E;
	s22 =	sld [smem:$0x3FFE];
	[sflag:s21] =	ssyncadd.s32 $0xFFFFFFFF  }
0xa2: {  	s24 =	simm.s32 $execute0_lowered;
	[smem:$0x3FD2] =	sst s23  }
0xa3: {  	s3 =	sshll.u32 s24, $0x1;
	_ =	strace $0x8000004C;
	[dreg:$0x1] =	wrdreg $0xFFFFFFFF  }
0xa4: {  	s25 =	simm.s32 $_size_execute0_lowered;
	s1 =	sadd.s32 s1, s3;
	[dreg:$0x0] =	wrdreg $0x0  }
0xa5: {  	s3 =	sshll.u32 s25, $0x1;
	[dreg:$0x2] =	wrdreg s1  }
0xa6: {  	[dreg:$0x3] =	wrdreg s3  }
0xa7: {  	[dreg:$0x4] =	wrdreg $0xC0  }
0xa8: {  	_ =	task [dreg:s5], $0x5FFFF  }
0xa9: {  	[dreg:$0x1] =	wrdreg $0xFFFFFFFF  }
0xaa: {  	[dreg:$0x0] =	wrdreg $0x60  }
0xab: {  	[dreg:$0x2] =	wrdreg s22  }
0xac: {  	[dreg:$0x3] =	wrdreg s0  }
0xad: {  	[dreg:$0x4] =	wrdreg $0x9  }
0xae: {  	_ =	task.clear_ibuf [dreg:s5], $0x5FFFF;
	_ =	strace $0x9000004C  }
0xaf: {  	s26 =	simm.s32 $0x9;
	_ =	strace $0x8000004E  }
0xb0: {  	_ =	swait.ge [sflag:s26], $0x1  }
0xb1: {  	[sflag:s26] =	ssyncadd.s32 $0xFFFFFFFF  }
0xb2: {  	_ =	strace $0x9000004E  }
0xb3: {  	_ =	sfence  }
0xb4: {  	s28 =	sld [smem:$0x0];
	_ =	sdelay $0x1  }
0xb5: {  	s29 =	srdreg.scid  }
0xb6: {  	s30 =	sshll.u32 s29, $0xD;
	s31 =	sshrl.u32 s29, $0x2  }
0xb7: {  	s2 =	sand.u32 $0x4000, s30;
	s1 =	sand.u32 $0x1, s29;
	s0 =	sadd.s32 s31, s28  }
0xb8: {  	s1 =	sor.u32 s2, s1;
	s0 =	sshll.u32 s0, $0x11  }
0xb9: {  	s0 =	sor.u32 s0, s1  }
0xba: {  	s0 =	sadd.s32 $0x8F2B, s0  }
0xbb: {  	[sflag:s0] =	ssyncadd.remote.s32 $0x1  }
0xbc: {  	_ =	sfence.sel $0xFFFF  }
0xbd: {  	[dreg:$0x0] =	wrdreg $0xFFFFFFFF;
	(pc) =	sbr.abs _section_cstart, $3  }
0xbe: {  	[dreg:$0x1] =	wrdreg $0xFFFFFFFF  }
0xbf: {  	_ =	task.clear_ibuf [dreg:s5], $0x2FFFF;
	_ =	strace $0x9FFFFFFF  }
0xc0: {  	(tm) =	ssettm $0x7FFFFFFF  }
0xc1: {  	_ =	shalt  }
tec
execute0_lowered:
.L_overlay_start_1:
0x0: {  	(tag) =	ssettag $0x1  }
0x1: {  	s0 =	stileid.u32  }
0x2: {  	s1 =	smin.u32 s0, $0x9  }
0x3: {  	s1 =	sadd.s32 s0, s1  }
0x4: {  	s2 =	simm.s32 $0xA0;
	p0 =	slt.u32 s0, $0x9;
	s1 =	smul.u32 $0x50, s1  }
0x5: {  	s2 =	simm.s32 @!p0 $0x50  }
0x6: {  	s2 =	sadd.s32 s2, s1  }
0x7: {  	s3 =	smin.u32 s2, $0x7D0  }
0x8: {  	s7 =	ssub.s32 s3, s1  }
0x9: {  	p0 =	sgt.s32 s7, $0x0  }
0xa: {  	s7 =	simm.s32 @!p0 $0x0  }
0xb: {  	s9 =	rddreg [dreg:$0x0];
	s31 =	smul.u32 $0xCCCD, s7  }
0xc: {  	s4 =	rddreg [dreg:$0x1];
	s6 =	simm.s32 $0x1  }
0xd: {  	s11 =	simm.s32 $0x3;
	s13 =	simm.s32 $0x0;
	s8 =	sshrl.u32 s31, $0x16  }
0xe: {  	s12 =	simm.s32 $0x0;
	s5 =	sadd.s32 $0x34C00, s9;
	s10 =	smul.u32 $0x50, s8  }
.Ltmp0:
0xf: {  	s9 =	sadd.s32 $0xAA000, s9;
	s2 =	rddreg [dreg:$0x2];
	(pc) =	sbr.rel .LBB2_1-.Ltmp0, $4  }
0x10: {  	_ =	strace $0x8000004D;
	p0 =	sne.s32 s7, s10;
	s10 =	simm.s32 $0x1  }
0x11: {  	[sflag:s6] =	ssyncpa.u1 $0x0;
	s7 =	simm.s32 $0x2;
	s10 =	simm.s32 @!p0 $0x0  }
0x12: {  	[sflag:s7] =	ssyncpa.u1 $0x0;
	p0 =	por $0x0, $0x0;
	s8 =	sadd.s32 s8, s10  }
0x13: {  	vm0 =	vmmov $0xff;
	vm1 =	vcmask $0x3F20;
	[sflag:s11] =	ssyncpa.u1 $0x0;
	s11 =	smov.u32 s1;
	s10 =	sadd.s32 $0x1, s8  }
.LBB2_6:
0x14: {  	[hbm:s17] =	stream.linear.scatter [tilespmem:s14], [sflag:$0x3], $0x400, $0x38;
	[tilespmem:$0x50A0] =	vst v63  }
.LBB2_7:
0x15: {  	s13 =	sadd.s32 $0x50, s11  }
0x16: {  	s15 =	smov.u32 s1;
	p2 =	slt.s32 s13, s3  }
0x17: {  	s15 =	smov.u32 @p2 s13;
	p2 =	sne.s32 s12, s10  }
.Ltmp1:
0x18: {  	p1 =	slt.u32 s12, $0x2;
	(pc) =	sbr.rel @!p2 .LBB2_8-.Ltmp1, $4  }
0x19: {  	s14 =	simm.s32 @!p1 $0x3  }
0x1a: {  	s16 =	sadd.s32 $0x1, s12;
	_ =	swait.ge @!p1 [sflag:s14], $0x2800  }
0x1b: {  	p0 =	por !p0, !p0;
	s13 =	smov.u32 s11;
	[sflag:s14] =	ssyncset.done @!p1 $0x0  }
0x1c: {  	s12 =	smov.u32 s16;
	s11 =	smov.u32 s15;
	[sflag:s14] =	ssyncadd.s32 @!p1 $0xFFFFD800  }
.LBB2_1:
0x1d: {  	p1 =	sge.u32 s12, s8  }
0x1e: {  	s14 =	sxor.u32 @!p1 $0xFFFFFFFF, s12  }
0x1f: {  	s14 =	sand.u32 @!p1 $0x1, s14  }
0x20: {  	s14 =	smul.u32 @!p1 $0x140, s14  }
0x21: {  	s31 =	sadd.s32 $0xFFFFFFFF, s12;
	s15 =	sshrl.u32 @!p1 s11, $0x3  }
0x22: {  	s16 =	sand.u32 @!p1 $0x7, s11;
	s15 =	sadd.s32 @!p1 s4, s15;
	s14 =	sshrl.u32 @!p1 s14, $0x2  }
0x23: {  	[tilespmem:s14], [sflag:$0x2] =	stream.linear.gather @!p1 [hbm4b:s15+s16], $0x50, $0x38;
	[tilespmem:$0x50A0] =	vst v63  }
0x24: {  	p1 =	sge.u32 s31, s8  }
.Ltmp2:
0x25: {  	_ = 	snop;
	(pc) =	sbr.rel @p1 .LBB2_7-.Ltmp2, $1  }
0x26: {  	_ =	sdelay $0x3  }
0x27: {  	s14 =	simm.s32 $0x1  }
0x28: {  	s14 =	simm.s32 @!p0 $0x0  }
0x29: {  	s15 =	smul.u32 $0x140, s14  }
0x2a: {  	_ =	swait.ge [sflag:s7], $0x50  }
0x2b: {  	[sflag:s7] =	ssyncset.done $0x0;
	s16 =	sshrl.u32 s15, $0x2  }
0x2c: {  	[sflag:s7] =	ssyncadd.s32 $0xFFFFFFB0;
	s15 =	sadd.s32 $0x0, s16  }
0x2d: {  	v0 =	vld.msk [tilespmem:s15+$0x0 ss:$0x1], $0xffff;
	_ =	sdelay $0x4  }
0x2e: {  	vm2 =	vgt.s32 v0, $0x0  }
0x2f: {  	v0 =	vnsel vm2, $0x0, v0  }
0x30: {  	v0 =	vmin.u32 v0, $0x752F  }
0x31: {  	v0 =	vshll.u32 v0, $0x4  }
0x32: {  	s14 =	smul.u32 $0xA000, s14;
	_ =	sdelay $0x1  }
0x33: {  	s14 =	sshrl.u32 s14, $0x2  }
0x34: {  	s14 =	sor.u32 $0xA0, s14  }
0x35: {  	[tilespmem:s14], [sflag:$0x1] =	stream.indirect_vreg.gather [hbm:s5], $0x80, v0, vm0, $0x38;
	[tilespmem:$0x50A0] =	vst v63  }
0x36: {  	s17 =	sadd.s32 $0x10, s16;
	s15 =	sadd.s32 $0x400, s14  }
0x37: {  	[tilespmem:s15], [sflag:$0x1] =	stream.indirect_vreg.gather [hbm:s5], $0x80, v0, vm1, $0x38;
	[tilespmem:$0x50A0] =	vst v63  }
0x38: {  	s18 =	simm.s32 $0x80;
	v0 =	vld.msk [tilespmem:s17+$0x0 ss:$0x1], $0xffff;
	s17 =	smov.u32 s14  }
.LBB2_3:
0x39: {  	p1 =	sne.s32 s18, $0x100;
	_ =	sdelay $0x4  }
0x3a: {  	vm2 =	vgt.s32 v0, $0x0  }
0x3b: {  	v0 =	vnsel vm2, $0x0, v0  }
0x3c: {  	v0 =	vmin.u32 v0, $0x752F  }
0x3d: {  	v0 =	vshll.u32 v0, $0x4;
	_ =	sdelay $0x3  }
.Ltmp3:
0x3e: {  	s19 =	sshra.s32 s18, $0x2;
	s17 =	sadd.s32 $0x800, s17;
	(pc) =	sbr.rel @p1 .LBB2_3-.Ltmp3, $4  }
0x3f: {  	[tilespmem:s17], [sflag:$0x1] =	stream.indirect_vreg.gather [hbm:s5], $0x80, v0, vm0, $0x38;
	[tilespmem:$0x50A0] =	vst v63  }
0x40: {  	s19 =	sadd.s32 s19, s16;
	s20 =	sadd.s32 $0x400, s17  }
0x41: {  	[tilespmem:s20], [sflag:$0x1] =	stream.indirect_vreg.gather [hbm:s5], $0x80, v0, vm1, $0x38;
	[tilespmem:$0x50A0] =	vst v63  }
0x42: {  	s18 =	sadd.s32 $0x40, s18;
	v0 =	vld.msk [tilespmem:s19+$0x0 ss:$0x1], $0xffff  }
0x43: {  	_ =	sdelay $0x3  }
0x44: {  	vm2 =	vgt.s32 v0, $0x0  }
0x45: {  	v0 =	vnsel vm2, $0x0, v0  }
0x46: {  	v0 =	vmin.u32 v0, $0x752F  }
0x47: {  	v0 =	vshll.u32 v0, $0x4;
	_ =	sdelay $0x3  }
0x48: {  	s16 =	sadd.s32 $0x800, s17  }
0x49: {  	[tilespmem:s16], [sflag:$0x1] =	stream.indirect_vreg.gather [hbm:s5], $0x80, v0, vm0, $0x38;
	[tilespmem:$0x50A0] =	vst v63  }
0x4a: {  	s16 =	sadd.s32 $0x400, s16  }
0x4b: {  	[tilespmem:s16], [sflag:$0x1] =	stream.indirect_vreg.gather [hbm:s5], $0x80, v0, vm1, $0x38;
	[tilespmem:$0x50A0] =	vst v63  }
0x4c: {  	s13 =	sshll.u32 s13, $0x4;
	_ =	swait.ge [sflag:s6], $0x2800  }
0x4d: {  	s13 =	sadd.s32 s13, s9;
	[sflag:s6] =	ssyncset.done $0x0  }
0x4e: {  	s17 =	sadd.s32 $0x0, s13;
	s16 =	simm.s32 $0x80;
	[sflag:s6] =	ssyncadd.s32 $0xFFFFD800  }
.LBB2_5:
0x4f: {  	[hbm:s17] =	stream.linear.scatter [tilespmem:s14], [sflag:$0x3], $0x400, $0x38;
	[tilespmem:$0x50A0] =	vst v63  }
0x50: {  	s17 =	smov.u32 s16;
	s14 =	smov.u32 s15;
	p1 =	sne.s32 s16, $0x480  }
.Ltmp4:
0x51: {  	s16 =	sadd.s32 $0x80, s16;
	(pc) =	sbr.rel @p1 .LBB2_5-.Ltmp4, $2  }
0x52: {  	_ =	sdelay $0x2  }
0x53: {  	s15 =	sadd.s32 $0x400, s15;
	s17 =	sadd.s32 s17, s13  }
.Ltmp5:
0x54: {  	_ = 	snop;
	(pc) =	sbr.rel .LBB2_6-.Ltmp5, $1  }
0x55: {  	_ =	sdelay $0x3  }
.LBB2_8:
0x56: {  	_ =	sfence.sel $0x180000  }
0x57: {  	s1 =	simm.s32 $0x2;
	[bflag:$0x0] =	sbarrier.arrive $0xFFFF  }
0x58: {  	s30 =	simm.s32 $0x3;
	[sflag:s1] =	ssyncpa.u1 $0x1  }
0x59: {  	s31 =	simm.s32 $0x1;
	[sflag:s30] =	ssyncpa.u1 $0x1  }
0x5a: {  	[sflag:s31] =	ssyncpa.u1 $0x1  }
0x5b: {  	p0 =	sne.s32 s0, $0x0;
	_ =	strace $0x9000004D  }
0x5c: {  	s0 =	sadd.s32 @!p0 $0x100000, s2;
	[bflag:$0x2] =	sbarrier.arrive $0xFFFF  }
0x5d: {  	[sflag:s0] =	ssyncadd.tile.s32 @!p0 $0x1;
	_ =	shalt  }
.Lfunc_end2:
_tile_overlayer_lowered:
.L_overlay_start_2:
0x5e: {  	(tag) =	ssettag $0x2  }
0x5f: {  	s0 =	rddreg [dreg:$0x0];
	s2 =	stileid.u32  }
0x60: {  	s1 =	rddreg [dreg:$0x1];
	p0 =	sne.s32 s2, $0x0  }
0x61: {  	s3 =	rddreg [dreg:$0x2];
	[bflag:$0x3] =	sbarrier.arrive $0xFFFF;
	s2 =	simm.s32 @!p0 $0x1C01  }
0x62: {  	[timem:s3], [sflag:s2] =	dma.local @!p0 [hbm:s0], s1  }
0x63: {  	s0 =	simm.s32 @!p0 $0x1  }
0x64: {  	_ =	swait.ge @!p0 [sflag:s0], s1  }
0x65: {  	s1 =	ssub.s32 @!p0 $0x0, s1;
	[sflag:s0] =	ssyncset.done @!p0 $0x0  }
0x66: {  	[sflag:s0] =	ssyncadd.s32 @!p0 s1  }
0x67: {  	[bflag:$0x3] =	sbarrier.arrive $0xFFFF  }
0x68: {  	_ =	shalt  }

</sc_bundles>
